<compile_context>
chip_gen: v7x
topology: tpu7x:2x2x1
jax: 0.10.2.dev20260603
libtpu: 0.0.44.dev20260713+nightly
codegen_flags: <defaults>
</compile_context>

<pallas_src>
import dataclasses

import jax
import jax.numpy as jnp
from jax import lax
from jax.experimental import pallas as pl
from jax.experimental.compute_on import compute_on
from jax.experimental.pallas import tpu as pltpu
from jax.experimental.pallas import tpu_sc as plsc

_ROWS = 16384
_COLS = 1024
_LANES = 16

_SC_ROWS = 3072
_TC_ROWS = _ROWS - _SC_ROWS
_TC_BLK = 1024
_SC_BR = 16

_mesh = plsc.VectorSubcoreMesh(core_axis_name="c", subcore_axis_name="s")

_cparams = pltpu.CompilerParams()
if "needs_layout_passes" in pltpu.CompilerParams.__dataclass_fields__:
    _cparams = dataclasses.replace(_cparams, needs_layout_passes=False)


def _tc_body(idx_ref, b0_ref, b1_ref, b2_ref, x1_ref, x2_ref, o_ref):
    h = idx_ref[0]
    c0 = b0_ref[h]
    c1 = b1_ref[h]
    c2 = b2_ref[h]
    o_ref[:] = c0 + c1 * x1_ref[:] + c2 * x2_ref[:]


def _tc_part(idx, b0, b1, b2, x1, x2):
    row_off = _SC_ROWS // _TC_BLK
    return pl.pallas_call(
        _tc_body,
        grid=(_TC_ROWS // _TC_BLK,),
        in_specs=[
            pl.BlockSpec(memory_space=pltpu.SMEM),
            pl.BlockSpec(memory_space=pltpu.SMEM),
            pl.BlockSpec(memory_space=pltpu.SMEM),
            pl.BlockSpec(memory_space=pltpu.SMEM),
            pl.BlockSpec((_TC_BLK, _COLS), lambda i: (i + row_off, 0)),
            pl.BlockSpec((_TC_BLK, _COLS), lambda i: (i + row_off, 0)),
        ],
        out_specs=pl.BlockSpec((_TC_BLK, _COLS), lambda i: (i + row_off, 0)),
        out_shape=jax.ShapeDtypeStruct((_ROWS, _COLS), jnp.float32),
    )(idx, b0, b1, b2, x1, x2)


def _sc_body(idx_hbm, b0_hbm, b1_hbm, b2_hbm, x1_hbm, x2_hbm, o_hbm,
             idx_vmem, b0_vmem, b1_vmem, b2_vmem, sem):
    pltpu.async_copy(idx_hbm, idx_vmem, sem).wait()
    pltpu.async_copy(b0_hbm, b0_vmem, sem).wait()
    pltpu.async_copy(b1_hbm, b1_vmem, sem).wait()
    pltpu.async_copy(b2_hbm, b2_vmem, sem).wait()
    idxv = idx_vmem[...]
    c0 = plsc.load_gather(b0_vmem, [idxv])
    c1 = plsc.load_gather(b1_vmem, [idxv])
    c2 = plsc.load_gather(b2_vmem, [idxv])

    def block_body(x1_v, x2_v, o_v):
        @pl.loop(0, _SC_BR)
        def _(r):
            @plsc.parallel_loop(0, _COLS, step=_LANES, unroll=8)
            def _(c):
                v1 = x1_v.at[r, pl.ds(c, _LANES)][...]
                v2 = x2_v.at[r, pl.ds(c, _LANES)][...]
                o_v.at[r, pl.ds(c, _LANES)][...] = c0 + c1 * v1 + c2 * v2

    pltpu.emit_pipeline(
        block_body,
        grid=(_SC_ROWS // _SC_BR,),
        in_specs=[
            pl.BlockSpec((_SC_BR, _COLS), lambda i: (i, 0)),
            pl.BlockSpec((_SC_BR, _COLS), lambda i: (i, 0)),
        ],
        out_specs=[pl.BlockSpec((_SC_BR, _COLS), lambda i: (i, 0))],
        core_axis_name=("c", "s"),
        dimension_semantics=(pltpu.PARALLEL,),
    )(x1_hbm, x2_hbm, o_hbm)


def _sc_part(idxv, b0, b1, b2, x1, x2):
    k = pl.kernel(
        _sc_body,
        out_type=jax.ShapeDtypeStruct((_SC_ROWS, _COLS), jnp.float32),
        mesh=_mesh,
        scratch_types=[
            pltpu.VMEM((_LANES,), jnp.int32),
            pltpu.VMEM((168,), jnp.float32),
            pltpu.VMEM((168,), jnp.float32),
            pltpu.VMEM((168,), jnp.float32),
            pltpu.SemaphoreType.DMA,
        ],
        compiler_params=_cparams,
    )
    return k(idxv, b0, b1, b2, x1, x2)


def kernel(hour_idx, x1, x2, b0, b1, b2):
    idx = jnp.asarray(hour_idx, jnp.int32).reshape(1)
    idxv = jnp.full((_LANES,), hour_idx, jnp.int32)
    tc_out = _tc_part(idx, b0, b1, b2, x1, x2)
    sc_out = compute_on("tpu_sparsecore")(_sc_part)(idxv, b0, b1, b2, x1, x2)
    return lax.dynamic_update_slice(tc_out, sc_out, (0, 0))

# --- scband reference (transcript-rebuilt; emitter-appended) ---
"""Pipeline reference for scband-generator-model-6992206758072 (READ-ONLY COPY).

The authoritative reference and input builder live on the scoring server;
editing this copy changes nothing except your own understanding.
"""

import jax, jax.numpy as jnp
import numpy as np

HOURS_PER_WEEK = 168


def setup_inputs(seed: int = 0) -> dict:
    key = jax.random.key(seed)
    k1, k2, k3, k4, k5 = jax.random.split(key, 5)
    x1 = jax.random.normal(k1, (16384, 1024), dtype=jnp.float32)
    x2 = jax.random.normal(k2, (16384, 1024), dtype=jnp.float32)
    # learned per-hour coefficient tables (sized like Config.hours_per_week())
    b0 = jax.random.uniform(k3, (HOURS_PER_WEEK,), dtype=jnp.float32)
    b1 = jax.random.uniform(k4, (HOURS_PER_WEEK,), dtype=jnp.float32)
    b2 = jax.random.uniform(k5, (HOURS_PER_WEEK,), dtype=jnp.float32)
    hour_idx = 5
    return {"hour_idx": hour_idx, "x1": x1, "x2": x2, "b0": b0, "b1": b1, "b2": b2}


def reference(hour_idx, x1, x2, b0, b1, b2):
    # Faithful translation of GeneratorModel.forward:
    # scalar gather from each coefficient table, then broadcast affine combine.
    return b0[hour_idx] + b1[hour_idx] * x1 + b2[hour_idx] * x2

if __name__ == "__main__":
    import jax
    _d = setup_inputs()
    print(jax.jit(kernel)(*tuple(_d.values())))

</pallas_src>

<mosaic_0001>
#map = affine_map<(d0, d1) -> (0)>
#map1 = affine_map<(d0, d1) -> (0, 0)>
module attributes {stable_mosaic.version = 14 : i64} {
  func.func @_sc_body(%arg0: i32, %arg1: i32, %arg2: memref<16xi32, #tpu.memory_space<hbm>>, %arg3: memref<168xf32, #tpu.memory_space<hbm>>, %arg4: memref<168xf32, #tpu.memory_space<hbm>>, %arg5: memref<168xf32, #tpu.memory_space<hbm>>, %arg6: memref<16384x1024xf32, #tpu.memory_space<hbm>>, %arg7: memref<16384x1024xf32, #tpu.memory_space<hbm>>, %arg8: memref<3072x1024xf32, #tpu.memory_space<hbm>>, %arg9: memref<16xi32, #tpu.memory_space<vmem>>, %arg10: memref<168xf32, #tpu.memory_space<vmem>>, %arg11: memref<168xf32, #tpu.memory_space<vmem>>, %arg12: memref<168xf32, #tpu.memory_space<vmem>>, %arg13: memref<!tpu.dma_semaphore, #tpu.memory_space<semaphore_mem>>) attributes {dimension_semantics = [#tpu.dimension_semantics<core_parallel>, #tpu.dimension_semantics<subcore_parallel>], iteration_bounds = array<i64: 2, 16>, scalar_prefetch = 0 : i64, scratch_operands = 5 : i64, tpu.core_type = #tpu.core_type<sc_vector_subcore>, window_params = [{transform_indices = #map}, {transform_indices = #map}, {transform_indices = #map}, {transform_indices = #map}, {transform_indices = #map1}, {transform_indices = #map1}, {transform_indices = #map1}]} {
    tpu.enqueue_dma source(%arg2 : memref<16xi32, #tpu.memory_space<hbm>>) target(%arg9 : memref<16xi32, #tpu.memory_space<vmem>>) target_semaphore(%arg13 : memref<!tpu.dma_semaphore, #tpu.memory_space<semaphore_mem>>)
    tpu.wait_dma2 semaphore(%arg13 : memref<!tpu.dma_semaphore, #tpu.memory_space<semaphore_mem>>) src(%arg2 : memref<16xi32, #tpu.memory_space<hbm>>) dst(%arg9 : memref<16xi32, #tpu.memory_space<vmem>>)
    tpu.enqueue_dma source(%arg3 : memref<168xf32, #tpu.memory_space<hbm>>) target(%arg10 : memref<168xf32, #tpu.memory_space<vmem>>) target_semaphore(%arg13 : memref<!tpu.dma_semaphore, #tpu.memory_space<semaphore_mem>>)
    tpu.wait_dma2 semaphore(%arg13 : memref<!tpu.dma_semaphore, #tpu.memory_space<semaphore_mem>>) src(%arg3 : memref<168xf32, #tpu.memory_space<hbm>>) dst(%arg10 : memref<168xf32, #tpu.memory_space<vmem>>)
    tpu.enqueue_dma source(%arg4 : memref<168xf32, #tpu.memory_space<hbm>>) target(%arg11 : memref<168xf32, #tpu.memory_space<vmem>>) target_semaphore(%arg13 : memref<!tpu.dma_semaphore, #tpu.memory_space<semaphore_mem>>)
    tpu.wait_dma2 semaphore(%arg13 : memref<!tpu.dma_semaphore, #tpu.memory_space<semaphore_mem>>) src(%arg4 : memref<168xf32, #tpu.memory_space<hbm>>) dst(%arg11 : memref<168xf32, #tpu.memory_space<vmem>>)
    tpu.enqueue_dma source(%arg5 : memref<168xf32, #tpu.memory_space<hbm>>) target(%arg12 : memref<168xf32, #tpu.memory_space<vmem>>) target_semaphore(%arg13 : memref<!tpu.dma_semaphore, #tpu.memory_space<semaphore_mem>>)
    tpu.wait_dma2 semaphore(%arg13 : memref<!tpu.dma_semaphore, #tpu.memory_space<semaphore_mem>>) src(%arg5 : memref<168xf32, #tpu.memory_space<hbm>>) dst(%arg12 : memref<168xf32, #tpu.memory_space<vmem>>)
    %get3A = arith.constant 0 : index
    %get3A_0 = tpu.vector_load %arg9[%get3A] {strides = array<i32>} : memref<16xi32, #tpu.memory_space<vmem>>, vector<16xi32>,
    %gather3A = tpu.vector_load_idx %arg10[%get3A_0] : memref<168xf32, #tpu.memory_space<vmem>>[vector<16xi32>], vector<16xf32>,
    %gather3A_1 = tpu.vector_load_idx %arg11[%get3A_0] : memref<168xf32, #tpu.memory_space<vmem>>[vector<16xi32>], vector<16xf32>,
    %gather3A_2 = tpu.vector_load_idx %arg12[%get3A_0] : memref<168xf32, #tpu.memory_space<vmem>>[vector<16xi32>], vector<16xf32>,
    %mul3A = arith.constant 1 : i32
    %mul3A_3 = arith.muli %arg1, %mul3A : i32
    %add3A = arith.constant 0 : i32
    %add3A_4 = arith.addi %add3A, %mul3A_3 : i32
    %mul3A_5 = arith.constant 16 : i32
    %mul3A_6 = arith.muli %arg0, %mul3A_5 : i32
    %add3A_7 = arith.addi %add3A_4, %mul3A_6 : i32
    %mul3A_8 = arith.constant 6 : i32
    %mul3A_9 = arith.muli %add3A_7, %mul3A_8 : i32
    "tpu.region"() ({
      %run_scoped3A = memref.alloca() : memref<2x16x1024xf32, #tpu.memory_space<vmem>>
      %run_scoped3A_10 = tpu.sem_alloc : memref<2x!tpu.dma_semaphore, #tpu.memory_space<semaphore_mem>>
      %run_scoped3A_11 = memref.alloca() : memref<2x16x1024xf32, #tpu.memory_space<vmem>>
      %run_scoped3A_12 = tpu.sem_alloc : memref<2x!tpu.dma_semaphore, #tpu.memory_space<semaphore_mem>>
      %run_scoped3A_13 = memref.alloca() : memref<2x16x1024xf32, #tpu.memory_space<vmem>>
      %run_scoped3A_14 = tpu.sem_alloc : memref<2x!tpu.dma_semaphore, #tpu.memory_space<semaphore_mem>>
      %add3A_15 = arith.constant 0 : i32
      %add3A_16 = arith.addi %add3A_15, %mul3A_9 : i32
      %select_n3A = arith.constant true
      %select_n3A_17 = arith.constant 0 : i32
      %select_n3A_18 = arith.constant -1 : i32
      %select_n3A_19 = arith.select %select_n3A, %select_n3A_18, %select_n3A_17 : i32
      %eq3A = arith.constant -1 : i32
      %eq3A_20 = arith.cmpi eq, %select_n3A_19, %eq3A : i32
      %select_n3A_21 = arith.constant 5 : i32
      %select_n3A_22 = arith.select %eq3A_20, %select_n3A_21, %select_n3A_19 : i32
      %add3A_23 = arith.addi %select_n3A_22, %mul3A_9 : i32
      %select_n3A_24 = arith.constant true
      %select_n3A_25 = arith.constant 0 : i32
      %select_n3A_26 = arith.constant 1 : i32
      %select_n3A_27 = arith.select %select_n3A_24, %select_n3A_26, %select_n3A_25 : i32
      %eq3A_28 = arith.constant 6 : i32
      %eq3A_29 = arith.cmpi eq, %select_n3A_27, %eq3A_28 : i32
      %select_n3A_30 = arith.constant 0 : i32
      %select_n3A_31 = arith.select %eq3A_29, %select_n3A_30, %select_n3A_27 : i32
      %add3A_32 = arith.addi %select_n3A_31, %mul3A_9 : i32
      %add3A_33 = arith.constant 1 : i32
      %add3A_34 = arith.addi %select_n3A_31, %add3A_33 : i32
      %select_n3A_35 = arith.constant true
      %select_n3A_36 = arith.select %select_n3A_35, %add3A_34, %select_n3A_31 : i32
      %eq3A_37 = arith.constant 6 : i32
      %eq3A_38 = arith.cmpi eq, %select_n3A_36, %eq3A_37 : i32
      %select_n3A_39 = arith.constant 0 : i32
      %select_n3A_40 = arith.select %eq3A_38, %select_n3A_39, %select_n3A_36 : i32
      %add3A_41 = arith.addi %select_n3A_40, %mul3A_9 : i32
      "tpu.trace_start"() <{level = 10 : i32, message = "ep_initialize_0"}> : () -> ()
      %rem3A = arith.constant 0 : i32
      %rem3A_42 = arith.constant 2 : i32
      %rem3A_43 = arith.remui %rem3A, %rem3A_42 : i32
      %mul3A_44 = arith.constant 16 : i32
      %mul3A_45 = arith.muli %mul3A_44, %add3A_16 : i32
      %dma_start3A = arith.constant 0 : i32
      %dma_start3A_46 = arith.constant 0 : i32
      %dma_start3A_47 = tpu.memref_slice %run_scoped3A[%rem3A_43, %dma_start3A, %dma_start3A_46] : memref<2x16x1024xf32, #tpu.memory_space<vmem>> -> memref<1x16x1024xf32, #tpu.memory_space<vmem>>
      %dma_start3A_48 = tpu.memref_squeeze %dma_start3A_47 : memref<1x16x1024xf32, #tpu.memory_space<vmem>> -> memref<16x1024xf32, #tpu.memory_space<vmem>>
      %dma_start3A_49 = arith.constant 0 : i32
      %dma_start3A_50 = tpu.memref_slice %arg6[%mul3A_45, %dma_start3A_49] : memref<16384x1024xf32, #tpu.memory_space<hbm>> -> memref<16x1024xf32, #tpu.memory_space<hbm>>
      %dma_start3A_51 = tpu.memref_slice %run_scoped3A_10[%rem3A_43] : memref<2x!tpu.dma_semaphore, #tpu.memory_space<semaphore_mem>> -> memref<1x!tpu.dma_semaphore, #tpu.memory_space<semaphore_mem>>
      %dma_start3A_52 = tpu.memref_squeeze %dma_start3A_51 : memref<1x!tpu.dma_semaphore, #tpu.memory_space<semaphore_mem>> -> memref<!tpu.dma_semaphore, #tpu.memory_space<semaphore_mem>>
      %dma_start3A_53 = arith.constant 0 : i32
      %dma_start3A_54 = arith.constant 0 : i32
      %dma_start3A_55 = tpu.memref_slice %run_scoped3A[%rem3A_43, %dma_start3A_53, %dma_start3A_54] : memref<2x16x1024xf32, #tpu.memory_space<vmem>> -> memref<1x16x1024xf32, #tpu.memory_space<vmem>>
      %dma_start3A_56 = tpu.memref_squeeze %dma_start3A_55 : memref<1x16x1024xf32, #tpu.memory_space<vmem>> -> memref<16x1024xf32, #tpu.memory_space<vmem>>
      %dma_start3A_57 = arith.constant 0 : i32
      %dma_start3A_58 = tpu.memref_slice %arg6[%mul3A_45, %dma_start3A_57] : memref<16384x1024xf32, #tpu.memory_space<hbm>> -> memref<16x1024xf32, #tpu.memory_space<hbm>>
      tpu.enqueue_dma source(%dma_start3A_58 : memref<16x1024xf32, #tpu.memory_space<hbm>>) target(%dma_start3A_56 : memref<16x1024xf32, #tpu.memory_space<vmem>>) target_semaphore(%dma_start3A_52 : memref<!tpu.dma_semaphore, #tpu.memory_space<semaphore_mem>>)
      %add3A_59 = arith.constant 0 : i32
      %add3A_60 = arith.constant 1 : i32
      %add3A_61 = arith.addi %add3A_59, %add3A_60 : i32
      %select_n3A_62 = arith.constant true
      %select_n3A_63 = arith.constant 0 : i32
      %select_n3A_64 = arith.select %select_n3A_62, %add3A_61, %select_n3A_63 : i32
      %rem3A_65 = arith.constant 0 : i32
      %rem3A_66 = arith.constant 2 : i32
      %rem3A_67 = arith.remui %rem3A_65, %rem3A_66 : i32
      %mul3A_68 = arith.constant 16 : i32
      %mul3A_69 = arith.muli %mul3A_68, %add3A_16 : i32
      %dma_start3A_70 = arith.constant 0 : i32
      %dma_start3A_71 = arith.constant 0 : i32
      %dma_start3A_72 = tpu.memref_slice %run_scoped3A_11[%rem3A_67, %dma_start3A_70, %dma_start3A_71] : memref<2x16x1024xf32, #tpu.memory_space<vmem>> -> memref<1x16x1024xf32, #tpu.memory_space<vmem>>
      %dma_start3A_73 = tpu.memref_squeeze %dma_start3A_72 : memref<1x16x1024xf32, #tpu.memory_space<vmem>> -> memref<16x1024xf32, #tpu.memory_space<vmem>>
      %dma_start3A_74 = arith.constant 0 : i32
      %dma_start3A_75 = tpu.memref_slice %arg7[%mul3A_69, %dma_start3A_74] : memref<16384x1024xf32, #tpu.memory_space<hbm>> -> memref<16x1024xf32, #tpu.memory_space<hbm>>
      %dma_start3A_76 = tpu.memref_slice %run_scoped3A_12[%rem3A_67] : memref<2x!tpu.dma_semaphore, #tpu.memory_space<semaphore_mem>> -> memref<1x!tpu.dma_semaphore, #tpu.memory_space<semaphore_mem>>
      %dma_start3A_77 = tpu.memref_squeeze %dma_start3A_76 : memref<1x!tpu.dma_semaphore, #tpu.memory_space<semaphore_mem>> -> memref<!tpu.dma_semaphore, #tpu.memory_space<semaphore_mem>>
      %dma_start3A_78 = arith.constant 0 : i32
      %dma_start3A_79 = arith.constant 0 : i32
      %dma_start3A_80 = tpu.memref_slice %run_scoped3A_11[%rem3A_67, %dma_start3A_78, %dma_start3A_79] : memref<2x16x1024xf32, #tpu.memory_space<vmem>> -> memref<1x16x1024xf32, #tpu.memory_space<vmem>>
      %dma_start3A_81 = tpu.memref_squeeze %dma_start3A_80 : memref<1x16x1024xf32, #tpu.memory_space<vmem>> -> memref<16x1024xf32, #tpu.memory_space<vmem>>
      %dma_start3A_82 = arith.constant 0 : i32
      %dma_start3A_83 = tpu.memref_slice %arg7[%mul3A_69, %dma_start3A_82] : memref<16384x1024xf32, #tpu.memory_space<hbm>> -> memref<16x1024xf32, #tpu.memory_space<hbm>>
      tpu.enqueue_dma source(%dma_start3A_83 : memref<16x1024xf32, #tpu.memory_space<hbm>>) target(%dma_start3A_81 : memref<16x1024xf32, #tpu.memory_space<vmem>>) target_semaphore(%dma_start3A_77 : memref<!tpu.dma_semaphore, #tpu.memory_space<semaphore_mem>>)
      %add3A_84 = arith.constant 0 : i32
      %add3A_85 = arith.constant 1 : i32
      %add3A_86 = arith.addi %add3A_84, %add3A_85 : i32
      %select_n3A_87 = arith.constant true
      %select_n3A_88 = arith.constant 0 : i32
      %select_n3A_89 = arith.select %select_n3A_87, %add3A_86, %select_n3A_88 : i32
      "tpu.trace_stop"() : () -> ()
      %scan3A = arith.constant 0 : i32
      %scan3A_90 = arith.constant 0 : i32
      %scan3A_91 = arith.constant 0 : i32
      %scan3A_92 = arith.constant 0 : i32
      %scan3A_93 = arith.constant 0 : i32
      %scan3A_94 = arith.constant 0 : i32
      %scan3A_95 = arith.constant 6 : i32
      %scan3A_96 = arith.addi %scan3A_94, %scan3A_95 : i32
      %scan3A_97 = arith.constant 1 : i32
      %scan3A_98:7 = scf.for %scan3A_152 = %scan3A_94 to %scan3A_96 step %scan3A_97 iter_args(%scan3A_153 = %select_n3A_64, %scan3A_154 = %scan3A, %scan3A_155 = %select_n3A_89, %scan3A_156 = %scan3A_90, %scan3A_157 = %scan3A_91, %scan3A_158 = %scan3A_92, %scan3A_159 = %scan3A_93) -> (i32, i32, i32, i32, i32, i32, i32)  : i32 {
        %eq3A_160 = arith.constant 0 : i32
        %eq3A_161 = arith.cmpi eq, %scan3A_152, %eq3A_160 : i32
        %eq3A_162 = arith.constant 5 : i32
        %eq3A_163 = arith.cmpi eq, %scan3A_152, %eq3A_162 : i32
        %add3A_164 = arith.addi %scan3A_159, %mul3A_9 : i32
        %sub3A_165 = arith.constant 1 : i32
        %sub3A_166 = arith.subi %scan3A_159, %sub3A_165 : i32
        %select_n3A_167 = arith.constant true
        %select_n3A_168 = arith.select %select_n3A_167, %sub3A_166, %scan3A_159 : i32
        %eq3A_169 = arith.constant -1 : i32
        %eq3A_170 = arith.cmpi eq, %select_n3A_168, %eq3A_169 : i32
        %select_n3A_171 = arith.constant 5 : i32
        %select_n3A_172 = arith.select %eq3A_170, %select_n3A_171, %select_n3A_168 : i32
        %add3A_173 = arith.addi %select_n3A_172, %mul3A_9 : i32
        %add3A_174 = arith.constant 1 : i32
        %add3A_175 = arith.addi %scan3A_159, %add3A_174 : i32
        %select_n3A_176 = arith.constant true
        %select_n3A_177 = arith.select %select_n3A_176, %add3A_175, %scan3A_159 : i32
        %eq3A_178 = arith.constant 6 : i32
        %eq3A_179 = arith.cmpi eq, %select_n3A_177, %eq3A_178 : i32
        %select_n3A_180 = arith.constant 0 : i32
        %select_n3A_181 = arith.select %eq3A_179, %select_n3A_180, %select_n3A_177 : i32
        %add3A_182 = arith.addi %select_n3A_181, %mul3A_9 : i32
        %add3A_183 = arith.constant 1 : i32
        %add3A_184 = arith.addi %select_n3A_181, %add3A_183 : i32
        %select_n3A_185 = arith.constant true
        %select_n3A_186 = arith.select %select_n3A_185, %add3A_184, %select_n3A_181 : i32
        %eq3A_187 = arith.constant 6 : i32
        %eq3A_188 = arith.cmpi eq, %select_n3A_186, %eq3A_187 : i32
        %select_n3A_189 = arith.constant 0 : i32
        %select_n3A_190 = arith.select %eq3A_188, %select_n3A_189, %select_n3A_186 : i32
        %add3A_191 = arith.addi %select_n3A_190, %mul3A_9 : i32
        %ne3A = arith.cmpi ne, %add3A_164, %add3A_182 : i32
        %or3A = arith.constant false
        %or3A_192 = arith.ori %or3A, %ne3A : i1
        %or3A_193 = arith.constant false
        %or3A_194 = arith.ori %or3A_192, %or3A_193 : i1
        %ge3A = arith.constant 5 : i32
        %ge3A_195 = arith.cmpi sge, %scan3A_152, %ge3A : i32
        %not3A = arith.constant true
        %not3A_196 = arith.xori %ge3A_195, %not3A : i1
        %and3A = arith.andi %or3A_194, %not3A_196 : i1
        %convert_element_type3A = arith.extui %and3A : i1 to i32
        %cond3A = arith.constant 0 : i32
        %cond3A_197 = arith.cmpi ne, %convert_element_type3A, %cond3A : i32
        scf.if %cond3A_197 {
          "tpu.trace_start"() <{level = 10 : i32, message = "ep_copy_in"}> : () -> ()
          %rem3A_373 = arith.constant 2 : i32
          %rem3A_374 = arith.remui %scan3A_153, %rem3A_373 : i32
          %mul3A_375 = arith.constant 16 : i32
          %mul3A_376 = arith.muli %mul3A_375, %add3A_182 : i32
          %dma_start3A_377 = arith.constant 0 : i32
          %dma_start3A_378 = arith.constant 0 : i32
          %dma_start3A_379 = tpu.memref_slice %run_scoped3A[%rem3A_374, %dma_start3A_377, %dma_start3A_378] : memref<2x16x1024xf32, #tpu.memory_space<vmem>> -> memref<1x16x1024xf32, #tpu.memory_space<vmem>>
          %dma_start3A_380 = tpu.memref_squeeze %dma_start3A_379 : memref<1x16x1024xf32, #tpu.memory_space<vmem>> -> memref<16x1024xf32, #tpu.memory_space<vmem>>
          %dma_start3A_381 = arith.constant 0 : i32
          %dma_start3A_382 = tpu.memref_slice %arg6[%mul3A_376, %dma_start3A_381] : memref<16384x1024xf32, #tpu.memory_space<hbm>> -> memref<16x1024xf32, #tpu.memory_space<hbm>>
          %dma_start3A_383 = tpu.memref_slice %run_scoped3A_10[%rem3A_374] : memref<2x!tpu.dma_semaphore, #tpu.memory_space<semaphore_mem>> -> memref<1x!tpu.dma_semaphore, #tpu.memory_space<semaphore_mem>>
          %dma_start3A_384 = tpu.memref_squeeze %dma_start3A_383 : memref<1x!tpu.dma_semaphore, #tpu.memory_space<semaphore_mem>> -> memref<!tpu.dma_semaphore, #tpu.memory_space<semaphore_mem>>
          %dma_start3A_385 = arith.constant 0 : i32
          %dma_start3A_386 = arith.constant 0 : i32
          %dma_start3A_387 = tpu.memref_slice %run_scoped3A[%rem3A_374, %dma_start3A_385, %dma_start3A_386] : memref<2x16x1024xf32, #tpu.memory_space<vmem>> -> memref<1x16x1024xf32, #tpu.memory_space<vmem>>
          %dma_start3A_388 = tpu.memref_squeeze %dma_start3A_387 : memref<1x16x1024xf32, #tpu.memory_space<vmem>> -> memref<16x1024xf32, #tpu.memory_space<vmem>>
          %dma_start3A_389 = arith.constant 0 : i32
          %dma_start3A_390 = tpu.memref_slice %arg6[%mul3A_376, %dma_start3A_389] : memref<16384x1024xf32, #tpu.memory_space<hbm>> -> memref<16x1024xf32, #tpu.memory_space<hbm>>
          tpu.enqueue_dma source(%dma_start3A_390 : memref<16x1024xf32, #tpu.memory_space<hbm>>) target(%dma_start3A_388 : memref<16x1024xf32, #tpu.memory_space<vmem>>) target_semaphore(%dma_start3A_384 : memref<!tpu.dma_semaphore, #tpu.memory_space<semaphore_mem>>)
          "tpu.trace_stop"() : () -> ()
        } else {
        }
        %and3A_198 = arith.constant true
        %and3A_199 = arith.andi %and3A, %and3A_198 : i1
        %add3A_200 = arith.constant 1 : i32
        %add3A_201 = arith.addi %scan3A_153, %add3A_200 : i32
        %select_n3A_202 = arith.select %and3A_199, %add3A_201, %scan3A_153 : i32
        %ne3A_203 = arith.cmpi ne, %add3A_164, %add3A_182 : i32
        %or3A_204 = arith.constant false
        %or3A_205 = arith.ori %or3A_204, %ne3A_203 : i1
        %or3A_206 = arith.constant false
        %or3A_207 = arith.ori %or3A_205, %or3A_206 : i1
        %ge3A_208 = arith.constant 5 : i32
        %ge3A_209 = arith.cmpi sge, %scan3A_152, %ge3A_208 : i32
        %not3A_210 = arith.constant true
        %not3A_211 = arith.xori %ge3A_209, %not3A_210 : i1
        %and3A_212 = arith.andi %or3A_207, %not3A_211 : i1
        %convert_element_type3A_213 = arith.extui %and3A_212 : i1 to i32
        %cond3A_214 = arith.constant 0 : i32
        %cond3A_215 = arith.cmpi ne, %convert_element_type3A_213, %cond3A_214 : i32
        scf.if %cond3A_215 {
          "tpu.trace_start"() <{level = 10 : i32, message = "ep_copy_in"}> : () -> ()
          %rem3A_373 = arith.constant 2 : i32
          %rem3A_374 = arith.remui %scan3A_155, %rem3A_373 : i32
          %mul3A_375 = arith.constant 16 : i32
          %mul3A_376 = arith.muli %mul3A_375, %add3A_182 : i32
          %dma_start3A_377 = arith.constant 0 : i32
          %dma_start3A_378 = arith.constant 0 : i32
          %dma_start3A_379 = tpu.memref_slice %run_scoped3A_11[%rem3A_374, %dma_start3A_377, %dma_start3A_378] : memref<2x16x1024xf32, #tpu.memory_space<vmem>> -> memref<1x16x1024xf32, #tpu.memory_space<vmem>>
          %dma_start3A_380 = tpu.memref_squeeze %dma_start3A_379 : memref<1x16x1024xf32, #tpu.memory_space<vmem>> -> memref<16x1024xf32, #tpu.memory_space<vmem>>
          %dma_start3A_381 = arith.constant 0 : i32
          %dma_start3A_382 = tpu.memref_slice %arg7[%mul3A_376, %dma_start3A_381] : memref<16384x1024xf32, #tpu.memory_space<hbm>> -> memref<16x1024xf32, #tpu.memory_space<hbm>>
          %dma_start3A_383 = tpu.memref_slice %run_scoped3A_12[%rem3A_374] : memref<2x!tpu.dma_semaphore, #tpu.memory_space<semaphore_mem>> -> memref<1x!tpu.dma_semaphore, #tpu.memory_space<semaphore_mem>>
          %dma_start3A_384 = tpu.memref_squeeze %dma_start3A_383 : memref<1x!tpu.dma_semaphore, #tpu.memory_space<semaphore_mem>> -> memref<!tpu.dma_semaphore, #tpu.memory_space<semaphore_mem>>
          %dma_start3A_385 = arith.constant 0 : i32
          %dma_start3A_386 = arith.constant 0 : i32
          %dma_start3A_387 = tpu.memref_slice %run_scoped3A_11[%rem3A_374, %dma_start3A_385, %dma_start3A_386] : memref<2x16x1024xf32, #tpu.memory_space<vmem>> -> memref<1x16x1024xf32, #tpu.memory_space<vmem>>
          %dma_start3A_388 = tpu.memref_squeeze %dma_start3A_387 : memref<1x16x1024xf32, #tpu.memory_space<vmem>> -> memref<16x1024xf32, #tpu.memory_space<vmem>>
          %dma_start3A_389 = arith.constant 0 : i32
          %dma_start3A_390 = tpu.memref_slice %arg7[%mul3A_376, %dma_start3A_389] : memref<16384x1024xf32, #tpu.memory_space<hbm>> -> memref<16x1024xf32, #tpu.memory_space<hbm>>
          tpu.enqueue_dma source(%dma_start3A_390 : memref<16x1024xf32, #tpu.memory_space<hbm>>) target(%dma_start3A_388 : memref<16x1024xf32, #tpu.memory_space<vmem>>) target_semaphore(%dma_start3A_384 : memref<!tpu.dma_semaphore, #tpu.memory_space<semaphore_mem>>)
          "tpu.trace_stop"() : () -> ()
        } else {
        }
        %and3A_216 = arith.constant true
        %and3A_217 = arith.andi %and3A_212, %and3A_216 : i1
        %add3A_218 = arith.constant 1 : i32
        %add3A_219 = arith.addi %scan3A_155, %add3A_218 : i32
        %select_n3A_220 = arith.select %and3A_217, %add3A_219, %scan3A_155 : i32
        %ne3A_221 = arith.cmpi ne, %add3A_164, %add3A_182 : i32
        %or3A_222 = arith.constant false
        %or3A_223 = arith.ori %or3A_222, %ne3A_221 : i1
        %or3A_224 = arith.constant false
        %or3A_225 = arith.ori %or3A_223, %or3A_224 : i1
        %ge3A_226 = arith.constant 5 : i32
        %ge3A_227 = arith.cmpi sge, %scan3A_152, %ge3A_226 : i32
        %not3A_228 = arith.constant true
        %not3A_229 = arith.xori %ge3A_227, %not3A_228 : i1
        %and3A_230 = arith.andi %or3A_225, %not3A_229 : i1
        %ne3A_231 = arith.cmpi ne, %add3A_164, %add3A_173 : i32
        %or3A_232 = arith.constant false
        %or3A_233 = arith.ori %or3A_232, %ne3A_231 : i1
        %or3A_234 = arith.constant false
        %or3A_235 = arith.ori %or3A_233, %or3A_234 : i1
        %or3A_236 = arith.ori %or3A_235, %eq3A_161 : i1
        %convert_element_type3A_237 = arith.extui %or3A_236 : i1 to i32
        %cond3A_238 = arith.constant 0 : i32
        %cond3A_239 = arith.cmpi ne, %convert_element_type3A_237, %cond3A_238 : i32
        scf.if %cond3A_239 {
          "tpu.trace_start"() <{level = 10 : i32, message = "ep_wait_in"}> : () -> ()
          %mul3A_373 = arith.constant 16 : i32
          %mul3A_374 = arith.muli %mul3A_373, %add3A_164 : i32
          %rem3A_375 = arith.constant 2 : i32
          %rem3A_376 = arith.remui %scan3A_154, %rem3A_375 : i32
          %dma_wait3A_377 = arith.constant 0 : i32
          %dma_wait3A_378 = arith.constant 0 : i32
          %dma_wait3A_379 = tpu.memref_slice %run_scoped3A[%rem3A_376, %dma_wait3A_377, %dma_wait3A_378] : memref<2x16x1024xf32, #tpu.memory_space<vmem>> -> memref<1x16x1024xf32, #tpu.memory_space<vmem>>
          %dma_wait3A_380 = tpu.memref_squeeze %dma_wait3A_379 : memref<1x16x1024xf32, #tpu.memory_space<vmem>> -> memref<16x1024xf32, #tpu.memory_space<vmem>>
          %dma_wait3A_381 = arith.constant 0 : i32
          %dma_wait3A_382 = tpu.memref_slice %arg6[%mul3A_374, %dma_wait3A_381] : memref<16384x1024xf32, #tpu.memory_space<hbm>> -> memref<16x1024xf32, #tpu.memory_space<hbm>>
          %dma_wait3A_383 = tpu.memref_slice %run_scoped3A_10[%rem3A_376] : memref<2x!tpu.dma_semaphore, #tpu.memory_space<semaphore_mem>> -> memref<1x!tpu.dma_semaphore, #tpu.memory_space<semaphore_mem>>
          %dma_wait3A_384 = tpu.memref_squeeze %dma_wait3A_383 : memref<1x!tpu.dma_semaphore, #tpu.memory_space<semaphore_mem>> -> memref<!tpu.dma_semaphore, #tpu.memory_space<semaphore_mem>>
          %dma_wait3A_385 = arith.constant 0 : i32
          %dma_wait3A_386 = arith.constant 0 : i32
          %dma_wait3A_387 = tpu.memref_slice %run_scoped3A[%rem3A_376, %dma_wait3A_385, %dma_wait3A_386] : memref<2x16x1024xf32, #tpu.memory_space<vmem>> -> memref<1x16x1024xf32, #tpu.memory_space<vmem>>
          %dma_wait3A_388 = tpu.memref_squeeze %dma_wait3A_387 : memref<1x16x1024xf32, #tpu.memory_space<vmem>> -> memref<16x1024xf32, #tpu.memory_space<vmem>>
          %dma_wait3A_389 = arith.constant 0 : i32
          %dma_wait3A_390 = tpu.memref_slice %arg6[%mul3A_374, %dma_wait3A_389] : memref<16384x1024xf32, #tpu.memory_space<hbm>> -> memref<16x1024xf32, #tpu.memory_space<hbm>>
          tpu.wait_dma2 semaphore(%dma_wait3A_384 : memref<!tpu.dma_semaphore, #tpu.memory_space<semaphore_mem>>) src(%dma_wait3A_390 : memref<16x1024xf32, #tpu.memory_space<hbm>>) dst(%dma_wait3A_388 : memref<16x1024xf32, #tpu.memory_space<vmem>>)
          "tpu.trace_stop"() : () -> ()
        } else {
        }
        %ne3A_240 = arith.cmpi ne, %add3A_164, %add3A_173 : i32
        %or3A_241 = arith.constant false
        %or3A_242 = arith.ori %or3A_241, %ne3A_240 : i1
        %or3A_243 = arith.constant false
        %or3A_244 = arith.ori %or3A_242, %or3A_243 : i1
        %or3A_245 = arith.ori %or3A_244, %eq3A_161 : i1
        %convert_element_type3A_246 = arith.extui %or3A_245 : i1 to i32
        %cond3A_247 = arith.constant 0 : i32
        %cond3A_248 = arith.cmpi ne, %convert_element_type3A_246, %cond3A_247 : i32
        scf.if %cond3A_248 {
          "tpu.trace_start"() <{level = 10 : i32, message = "ep_wait_in"}> : () -> ()
          %mul3A_373 = arith.constant 16 : i32
          %mul3A_374 = arith.muli %mul3A_373, %add3A_164 : i32
          %rem3A_375 = arith.constant 2 : i32
          %rem3A_376 = arith.remui %scan3A_156, %rem3A_375 : i32
          %dma_wait3A_377 = arith.constant 0 : i32
          %dma_wait3A_378 = arith.constant 0 : i32
          %dma_wait3A_379 = tpu.memref_slice %run_scoped3A_11[%rem3A_376, %dma_wait3A_377, %dma_wait3A_378] : memref<2x16x1024xf32, #tpu.memory_space<vmem>> -> memref<1x16x1024xf32, #tpu.memory_space<vmem>>
          %dma_wait3A_380 = tpu.memref_squeeze %dma_wait3A_379 : memref<1x16x1024xf32, #tpu.memory_space<vmem>> -> memref<16x1024xf32, #tpu.memory_space<vmem>>
          %dma_wait3A_381 = arith.constant 0 : i32
          %dma_wait3A_382 = tpu.memref_slice %arg7[%mul3A_374, %dma_wait3A_381] : memref<16384x1024xf32, #tpu.memory_space<hbm>> -> memref<16x1024xf32, #tpu.memory_space<hbm>>
          %dma_wait3A_383 = tpu.memref_slice %run_scoped3A_12[%rem3A_376] : memref<2x!tpu.dma_semaphore, #tpu.memory_space<semaphore_mem>> -> memref<1x!tpu.dma_semaphore, #tpu.memory_space<semaphore_mem>>
          %dma_wait3A_384 = tpu.memref_squeeze %dma_wait3A_383 : memref<1x!tpu.dma_semaphore, #tpu.memory_space<semaphore_mem>> -> memref<!tpu.dma_semaphore, #tpu.memory_space<semaphore_mem>>
          %dma_wait3A_385 = arith.constant 0 : i32
          %dma_wait3A_386 = arith.constant 0 : i32
          %dma_wait3A_387 = tpu.memref_slice %run_scoped3A_11[%rem3A_376, %dma_wait3A_385, %dma_wait3A_386] : memref<2x16x1024xf32, #tpu.memory_space<vmem>> -> memref<1x16x1024xf32, #tpu.memory_space<vmem>>
          %dma_wait3A_388 = tpu.memref_squeeze %dma_wait3A_387 : memref<1x16x1024xf32, #tpu.memory_space<vmem>> -> memref<16x1024xf32, #tpu.memory_space<vmem>>
          %dma_wait3A_389 = arith.constant 0 : i32
          %dma_wait3A_390 = tpu.memref_slice %arg7[%mul3A_374, %dma_wait3A_389] : memref<16384x1024xf32, #tpu.memory_space<hbm>> -> memref<16x1024xf32, #tpu.memory_space<hbm>>
          tpu.wait_dma2 semaphore(%dma_wait3A_384 : memref<!tpu.dma_semaphore, #tpu.memory_space<semaphore_mem>>) src(%dma_wait3A_390 : memref<16x1024xf32, #tpu.memory_space<hbm>>) dst(%dma_wait3A_388 : memref<16x1024xf32, #tpu.memory_space<vmem>>)
          "tpu.trace_stop"() : () -> ()
        } else {
        }
        %ne3A_249 = arith.cmpi ne, %add3A_164, %add3A_173 : i32
        %or3A_250 = arith.constant false
        %or3A_251 = arith.ori %or3A_250, %ne3A_249 : i1
        %or3A_252 = arith.constant false
        %or3A_253 = arith.ori %or3A_251, %or3A_252 : i1
        %or3A_254 = arith.ori %or3A_253, %eq3A_161 : i1
        %convert_element_type3A_255 = arith.extui %or3A_254 : i1 to i32
        %cond3A_256 = arith.constant 0 : i32
        %cond3A_257 = arith.cmpi ne, %convert_element_type3A_255, %cond3A_256 : i32
        scf.if %cond3A_257 {
        } else {
        }
        %rem3A_258 = arith.constant 2 : i32
        %rem3A_259 = arith.remui %scan3A_154, %rem3A_258 : i32
        %rem3A_260 = arith.constant 2 : i32
        %rem3A_261 = arith.remui %scan3A_156, %rem3A_260 : i32
        %rem3A_262 = arith.constant 2 : i32
        %rem3A_263 = arith.remui %scan3A_157, %rem3A_262 : i32
        "tpu.trace_start"() <{level = 10 : i32, message = "ep_run_kernel"}> : () -> ()
        %scan3A_264 = arith.constant 0 : i32
        %scan3A_265 = arith.constant 16 : i32
        %scan3A_266 = arith.addi %scan3A_264, %scan3A_265 : i32
        %scan3A_267 = arith.constant 1 : i32
        scf.for %scan3A_373 = %scan3A_264 to %scan3A_266 step %scan3A_267  : i32 {
          %mul3A_374 = arith.constant 1 : i32
          %mul3A_375 = arith.muli %scan3A_373, %mul3A_374 : i32
          %add3A_376 = arith.constant 0 : i32
          %add3A_377 = arith.addi %add3A_376, %mul3A_375 : i32
          %parallel_loop3A = arith.constant 0 : i32
          %parallel_loop3A_378 = arith.constant 1024 : i32
          %parallel_loop3A_379 = arith.constant 16 : i32
          scf.for %parallel_loop3A_380 = %parallel_loop3A to %parallel_loop3A_378 step %parallel_loop3A_379  : i32 {
            %parallel_loop3A_381 = arith.constant 0 : i32
            %parallel_loop3A_382 = arith.constant 0 : i32
            %parallel_loop3A_383 = tpu.memref_slice %run_scoped3A[%rem3A_259, %parallel_loop3A_381, %parallel_loop3A_382] : memref<2x16x1024xf32, #tpu.memory_space<vmem>> -> memref<1x16x1024xf32, #tpu.memory_space<vmem>>
            %parallel_loop3A_384 = tpu.memref_squeeze %parallel_loop3A_383 : memref<1x16x1024xf32, #tpu.memory_space<vmem>> -> memref<16x1024xf32, #tpu.memory_space<vmem>>
            %parallel_loop3A_385 = arith.index_cast %add3A_377 : i32 to index
            %parallel_loop3A_386 = arith.index_cast %parallel_loop3A_380 : i32 to index
            %parallel_loop3A_387 = tpu.vector_load %parallel_loop3A_384[%parallel_loop3A_385, %parallel_loop3A_386] {strides = array<i32>} : memref<16x1024xf32, #tpu.memory_space<vmem>>, vector<16xf32>,
            %parallel_loop3A_388 = arith.constant 0 : i32
            %parallel_loop3A_389 = arith.constant 0 : i32
            %parallel_loop3A_390 = tpu.memref_slice %run_scoped3A_11[%rem3A_261, %parallel_loop3A_388, %parallel_loop3A_389] : memref<2x16x1024xf32, #tpu.memory_space<vmem>> -> memref<1x16x1024xf32, #tpu.memory_space<vmem>>
            %parallel_loop3A_391 = tpu.memref_squeeze %parallel_loop3A_390 : memref<1x16x1024xf32, #tpu.memory_space<vmem>> -> memref<16x1024xf32, #tpu.memory_space<vmem>>
            %parallel_loop3A_392 = arith.index_cast %add3A_377 : i32 to index
            %parallel_loop3A_393 = arith.index_cast %parallel_loop3A_380 : i32 to index
            %parallel_loop3A_394 = tpu.vector_load %parallel_loop3A_391[%parallel_loop3A_392, %parallel_loop3A_393] {strides = array<i32>} : memref<16x1024xf32, #tpu.memory_space<vmem>>, vector<16xf32>,
            %parallel_loop3A_395 = arith.mulf %gather3A_1, %parallel_loop3A_387 : vector<16xf32>
            %parallel_loop3A_396 = arith.addf %gather3A, %parallel_loop3A_395 : vector<16xf32>
            %parallel_loop3A_397 = arith.mulf %gather3A_2, %parallel_loop3A_394 : vector<16xf32>
            %parallel_loop3A_398 = arith.addf %parallel_loop3A_396, %parallel_loop3A_397 : vector<16xf32>
            %parallel_loop3A_399 = arith.constant 0 : i32
            %parallel_loop3A_400 = arith.constant 0 : i32
            %parallel_loop3A_401 = tpu.memref_slice %run_scoped3A_13[%rem3A_263, %parallel_loop3A_399, %parallel_loop3A_400] : memref<2x16x1024xf32, #tpu.memory_space<vmem>> -> memref<1x16x1024xf32, #tpu.memory_space<vmem>>
            %parallel_loop3A_402 = tpu.memref_squeeze %parallel_loop3A_401 : memref<1x16x1024xf32, #tpu.memory_space<vmem>> -> memref<16x1024xf32, #tpu.memory_space<vmem>>
            %parallel_loop3A_403 = arith.index_cast %add3A_377 : i32 to index
            %parallel_loop3A_404 = arith.index_cast %parallel_loop3A_380 : i32 to index
            %parallel_loop3A_405 = tpu.vector_load %parallel_loop3A_402[%parallel_loop3A_403, %parallel_loop3A_404] {strides = array<i32>} : memref<16x1024xf32, #tpu.memory_space<vmem>>, vector<16xf32>,
            tpu.vector_store %parallel_loop3A_402[%parallel_loop3A_403, %parallel_loop3A_404], %parallel_loop3A_398 {strides = array<i32>} : memref<16x1024xf32, #tpu.memory_space<vmem>>, vector<16xf32>,
          } {sc.loop_unroll_factor = 8 : i64, sc.parallel_access}
        }
        %scan3A_268 = arith.constant 16 : i32
        "tpu.trace_stop"() : () -> ()
        %ne3A_269 = arith.cmpi ne, %add3A_164, %add3A_182 : i32
        %or3A_270 = arith.constant false
        %or3A_271 = arith.ori %or3A_270, %ne3A_269 : i1
        %or3A_272 = arith.constant false
        %or3A_273 = arith.ori %or3A_271, %or3A_272 : i1
        %or3A_274 = arith.ori %or3A_273, %eq3A_163 : i1
        %convert_element_type3A_275 = arith.extui %or3A_274 : i1 to i32
        %cond3A_276 = arith.constant 0 : i32
        %cond3A_277 = arith.cmpi ne, %convert_element_type3A_275, %cond3A_276 : i32
        scf.if %cond3A_277 {
        } else {
        }
        %and3A_278 = arith.constant false
        %and3A_279 = arith.andi %or3A_274, %and3A_278 : i1
        %ne3A_280 = arith.cmpi ne, %add3A_164, %add3A_182 : i32
        %or3A_281 = arith.constant false
        %or3A_282 = arith.ori %or3A_281, %ne3A_280 : i1
        %or3A_283 = arith.constant false
        %or3A_284 = arith.ori %or3A_282, %or3A_283 : i1
        %or3A_285 = arith.ori %or3A_284, %eq3A_163 : i1
        %convert_element_type3A_286 = arith.extui %or3A_285 : i1 to i32
        %cond3A_287 = arith.constant 0 : i32
        %cond3A_288 = arith.cmpi ne, %convert_element_type3A_286, %cond3A_287 : i32
        scf.if %cond3A_288 {
        } else {
        }
        %and3A_289 = arith.constant false
        %and3A_290 = arith.andi %or3A_285, %and3A_289 : i1
        %ne3A_291 = arith.cmpi ne, %add3A_164, %add3A_182 : i32
        %or3A_292 = arith.constant false
        %or3A_293 = arith.ori %or3A_292, %ne3A_291 : i1
        %or3A_294 = arith.constant false
        %or3A_295 = arith.ori %or3A_293, %or3A_294 : i1
        %or3A_296 = arith.ori %or3A_295, %eq3A_163 : i1
        %convert_element_type3A_297 = arith.extui %or3A_296 : i1 to i32
        %cond3A_298 = arith.constant 0 : i32
        %cond3A_299 = arith.cmpi ne, %convert_element_type3A_297, %cond3A_298 : i32
        scf.if %cond3A_299 {
          "tpu.trace_start"() <{level = 10 : i32, message = "ep_copy_out"}> : () -> ()
          %rem3A_373 = arith.constant 2 : i32
          %rem3A_374 = arith.remui %scan3A_157, %rem3A_373 : i32
          %mul3A_375 = arith.constant 16 : i32
          %mul3A_376 = arith.muli %mul3A_375, %add3A_164 : i32
          %dma_start3A_377 = arith.constant 0 : i32
          %dma_start3A_378 = arith.constant 0 : i32
          %dma_start3A_379 = tpu.memref_slice %run_scoped3A_13[%rem3A_374, %dma_start3A_377, %dma_start3A_378] : memref<2x16x1024xf32, #tpu.memory_space<vmem>> -> memref<1x16x1024xf32, #tpu.memory_space<vmem>>
          %dma_start3A_380 = tpu.memref_squeeze %dma_start3A_379 : memref<1x16x1024xf32, #tpu.memory_space<vmem>> -> memref<16x1024xf32, #tpu.memory_space<vmem>>
          %dma_start3A_381 = arith.constant 0 : i32
          %dma_start3A_382 = tpu.memref_slice %arg8[%mul3A_376, %dma_start3A_381] : memref<3072x1024xf32, #tpu.memory_space<hbm>> -> memref<16x1024xf32, #tpu.memory_space<hbm>>
          %dma_start3A_383 = tpu.memref_slice %run_scoped3A_14[%rem3A_374] : memref<2x!tpu.dma_semaphore, #tpu.memory_space<semaphore_mem>> -> memref<1x!tpu.dma_semaphore, #tpu.memory_space<semaphore_mem>>
          %dma_start3A_384 = tpu.memref_squeeze %dma_start3A_383 : memref<1x!tpu.dma_semaphore, #tpu.memory_space<semaphore_mem>> -> memref<!tpu.dma_semaphore, #tpu.memory_space<semaphore_mem>>
          %dma_start3A_385 = arith.constant 0 : i32
          %dma_start3A_386 = tpu.memref_slice %arg8[%mul3A_376, %dma_start3A_385] : memref<3072x1024xf32, #tpu.memory_space<hbm>> -> memref<16x1024xf32, #tpu.memory_space<hbm>>
          %dma_start3A_387 = arith.constant 0 : i32
          %dma_start3A_388 = arith.constant 0 : i32
          %dma_start3A_389 = tpu.memref_slice %run_scoped3A_13[%rem3A_374, %dma_start3A_387, %dma_start3A_388] : memref<2x16x1024xf32, #tpu.memory_space<vmem>> -> memref<1x16x1024xf32, #tpu.memory_space<vmem>>
          %dma_start3A_390 = tpu.memref_squeeze %dma_start3A_389 : memref<1x16x1024xf32, #tpu.memory_space<vmem>> -> memref<16x1024xf32, #tpu.memory_space<vmem>>
          tpu.enqueue_dma source(%dma_start3A_390 : memref<16x1024xf32, #tpu.memory_space<vmem>>) target(%dma_start3A_386 : memref<16x1024xf32, #tpu.memory_space<hbm>>) target_semaphore(%dma_start3A_384 : memref<!tpu.dma_semaphore, #tpu.memory_space<semaphore_mem>>)
          "tpu.trace_stop"() : () -> ()
        } else {
        }
        %and3A_300 = arith.constant true
        %and3A_301 = arith.andi %or3A_296, %and3A_300 : i1
        %add3A_302 = arith.constant 1 : i32
        %add3A_303 = arith.addi %scan3A_157, %add3A_302 : i32
        %select_n3A_304 = arith.select %and3A_301, %add3A_303, %scan3A_157 : i32
        %ne3A_305 = arith.cmpi ne, %add3A_164, %add3A_173 : i32
        %or3A_306 = arith.constant false
        %or3A_307 = arith.ori %or3A_306, %ne3A_305 : i1
        %or3A_308 = arith.constant false
        %or3A_309 = arith.ori %or3A_307, %or3A_308 : i1
        %not3A_310 = arith.constant true
        %not3A_311 = arith.xori %eq3A_161, %not3A_310 : i1
        %and3A_312 = arith.andi %or3A_309, %not3A_311 : i1
        %convert_element_type3A_313 = arith.extui %and3A_312 : i1 to i32
        %cond3A_314 = arith.constant 0 : i32
        %cond3A_315 = arith.cmpi ne, %convert_element_type3A_313, %cond3A_314 : i32
        scf.if %cond3A_315 {
        } else {
        }
        %and3A_316 = arith.constant false
        %and3A_317 = arith.andi %and3A_312, %and3A_316 : i1
        %ne3A_318 = arith.cmpi ne, %add3A_164, %add3A_173 : i32
        %or3A_319 = arith.constant false
        %or3A_320 = arith.ori %or3A_319, %ne3A_318 : i1
        %or3A_321 = arith.constant false
        %or3A_322 = arith.ori %or3A_320, %or3A_321 : i1
        %not3A_323 = arith.constant true
        %not3A_324 = arith.xori %eq3A_161, %not3A_323 : i1
        %and3A_325 = arith.andi %or3A_322, %not3A_324 : i1
        %convert_element_type3A_326 = arith.extui %and3A_325 : i1 to i32
        %cond3A_327 = arith.constant 0 : i32
        %cond3A_328 = arith.cmpi ne, %convert_element_type3A_326, %cond3A_327 : i32
        scf.if %cond3A_328 {
        } else {
        }
        %and3A_329 = arith.constant false
        %and3A_330 = arith.andi %and3A_325, %and3A_329 : i1
        %ne3A_331 = arith.cmpi ne, %add3A_164, %add3A_173 : i32
        %or3A_332 = arith.constant false
        %or3A_333 = arith.ori %or3A_332, %ne3A_331 : i1
        %or3A_334 = arith.constant false
        %or3A_335 = arith.ori %or3A_333, %or3A_334 : i1
        %not3A_336 = arith.constant true
        %not3A_337 = arith.xori %eq3A_161, %not3A_336 : i1
        %and3A_338 = arith.andi %or3A_335, %not3A_337 : i1
        %convert_element_type3A_339 = arith.extui %and3A_338 : i1 to i32
        %cond3A_340 = arith.constant 0 : i32
        %cond3A_341 = arith.cmpi ne, %convert_element_type3A_339, %cond3A_340 : i32
        scf.if %cond3A_341 {
          "tpu.trace_start"() <{level = 10 : i32, message = "ep_wait_out"}> : () -> ()
          %rem3A_373 = arith.constant 2 : i32
          %rem3A_374 = arith.remui %scan3A_158, %rem3A_373 : i32
          %mul3A_375 = arith.constant 16 : i32
          %mul3A_376 = arith.muli %mul3A_375, %add3A_173 : i32
          %dma_wait3A_377 = arith.constant 0 : i32
          %dma_wait3A_378 = arith.constant 0 : i32
          %dma_wait3A_379 = tpu.memref_slice %run_scoped3A_13[%rem3A_374, %dma_wait3A_377, %dma_wait3A_378] : memref<2x16x1024xf32, #tpu.memory_space<vmem>> -> memref<1x16x1024xf32, #tpu.memory_space<vmem>>
          %dma_wait3A_380 = tpu.memref_squeeze %dma_wait3A_379 : memref<1x16x1024xf32, #tpu.memory_space<vmem>> -> memref<16x1024xf32, #tpu.memory_space<vmem>>
          %dma_wait3A_381 = arith.constant 0 : i32
          %dma_wait3A_382 = tpu.memref_slice %arg8[%mul3A_376, %dma_wait3A_381] : memref<3072x1024xf32, #tpu.memory_space<hbm>> -> memref<16x1024xf32, #tpu.memory_space<hbm>>
          %dma_wait3A_383 = tpu.memref_slice %run_scoped3A_14[%rem3A_374] : memref<2x!tpu.dma_semaphore, #tpu.memory_space<semaphore_mem>> -> memref<1x!tpu.dma_semaphore, #tpu.memory_space<semaphore_mem>>
          %dma_wait3A_384 = tpu.memref_squeeze %dma_wait3A_383 : memref<1x!tpu.dma_semaphore, #tpu.memory_space<semaphore_mem>> -> memref<!tpu.dma_semaphore, #tpu.memory_space<semaphore_mem>>
          %dma_wait3A_385 = arith.constant 0 : i32
          %dma_wait3A_386 = tpu.memref_slice %arg8[%mul3A_376, %dma_wait3A_385] : memref<3072x1024xf32, #tpu.memory_space<hbm>> -> memref<16x1024xf32, #tpu.memory_space<hbm>>
          %dma_wait3A_387 = arith.constant 0 : i32
          %dma_wait3A_388 = arith.constant 0 : i32
          %dma_wait3A_389 = tpu.memref_slice %run_scoped3A_13[%rem3A_374, %dma_wait3A_387, %dma_wait3A_388] : memref<2x16x1024xf32, #tpu.memory_space<vmem>> -> memref<1x16x1024xf32, #tpu.memory_space<vmem>>
          %dma_wait3A_390 = tpu.memref_squeeze %dma_wait3A_389 : memref<1x16x1024xf32, #tpu.memory_space<vmem>> -> memref<16x1024xf32, #tpu.memory_space<vmem>>
          tpu.wait_dma2 semaphore(%dma_wait3A_384 : memref<!tpu.dma_semaphore, #tpu.memory_space<semaphore_mem>>) src(%dma_wait3A_390 : memref<16x1024xf32, #tpu.memory_space<vmem>>) dst(%dma_wait3A_386 : memref<16x1024xf32, #tpu.memory_space<hbm>>)
          "tpu.trace_stop"() : () -> ()
        } else {
        }
        %and3A_342 = arith.constant true
        %and3A_343 = arith.andi %and3A_338, %and3A_342 : i1
        %add3A_344 = arith.constant 1 : i32
        %add3A_345 = arith.addi %scan3A_158, %add3A_344 : i32
        %select_n3A_346 = arith.select %and3A_343, %add3A_345, %scan3A_158 : i32
        %ne3A_347 = arith.cmpi ne, %add3A_164, %add3A_182 : i32
        %or3A_348 = arith.constant false
        %or3A_349 = arith.ori %or3A_348, %ne3A_347 : i1
        %or3A_350 = arith.constant false
        %or3A_351 = arith.ori %or3A_349, %or3A_350 : i1
        %or3A_352 = arith.ori %or3A_351, %eq3A_163 : i1
        %add3A_353 = arith.constant 1 : i32
        %add3A_354 = arith.addi %scan3A_154, %add3A_353 : i32
        %select_n3A_355 = arith.select %or3A_352, %add3A_354, %scan3A_154 : i32
        %ne3A_356 = arith.cmpi ne, %add3A_164, %add3A_182 : i32
        %or3A_357 = arith.constant false
        %or3A_358 = arith.ori %or3A_357, %ne3A_356 : i1
        %or3A_359 = arith.constant false
        %or3A_360 = arith.ori %or3A_358, %or3A_359 : i1
        %or3A_361 = arith.ori %or3A_360, %eq3A_163 : i1
        %add3A_362 = arith.constant 1 : i32
        %add3A_363 = arith.addi %scan3A_156, %add3A_362 : i32
        %select_n3A_364 = arith.select %or3A_361, %add3A_363, %scan3A_156 : i32
        %add3A_365 = arith.constant 1 : i32
        %add3A_366 = arith.addi %scan3A_159, %add3A_365 : i32
        %select_n3A_367 = arith.constant true
        %select_n3A_368 = arith.select %select_n3A_367, %add3A_366, %scan3A_159 : i32
        %eq3A_369 = arith.constant 6 : i32
        %eq3A_370 = arith.cmpi eq, %select_n3A_368, %eq3A_369 : i32
        %select_n3A_371 = arith.constant 0 : i32
        %select_n3A_372 = arith.select %eq3A_370, %select_n3A_371, %select_n3A_368 : i32
        scf.yield %select_n3A_202, %select_n3A_355, %select_n3A_220, %select_n3A_364, %select_n3A_304, %select_n3A_346, %select_n3A_372 : i32, i32, i32, i32, i32, i32, i32
      }
      %scan3A_99 = arith.constant 6 : i32
      %sub3A = arith.constant 1 : i32
      %sub3A_100 = arith.subi %scan3A_98#6, %sub3A : i32
      %select_n3A_101 = arith.constant true
      %select_n3A_102 = arith.select %select_n3A_101, %sub3A_100, %scan3A_98#6 : i32
      %eq3A_103 = arith.constant -1 : i32
      %eq3A_104 = arith.cmpi eq, %select_n3A_102, %eq3A_103 : i32
      %select_n3A_105 = arith.constant 5 : i32
      %select_n3A_106 = arith.select %eq3A_104, %select_n3A_105, %select_n3A_102 : i32
      %add3A_107 = arith.addi %select_n3A_106, %mul3A_9 : i32
      %sub3A_108 = arith.constant 1 : i32
      %sub3A_109 = arith.subi %select_n3A_106, %sub3A_108 : i32
      %select_n3A_110 = arith.constant true
      %select_n3A_111 = arith.select %select_n3A_110, %sub3A_109, %select_n3A_106 : i32
      %eq3A_112 = arith.constant -1 : i32
      %eq3A_113 = arith.cmpi eq, %select_n3A_111, %eq3A_112 : i32
      %select_n3A_114 = arith.constant 5 : i32
      %select_n3A_115 = arith.select %eq3A_113, %select_n3A_114, %select_n3A_111 : i32
      %add3A_116 = arith.addi %select_n3A_115, %mul3A_9 : i32
      %add3A_117 = arith.constant 1 : i32
      %add3A_118 = arith.addi %select_n3A_106, %add3A_117 : i32
      %select_n3A_119 = arith.constant true
      %select_n3A_120 = arith.select %select_n3A_119, %add3A_118, %select_n3A_106 : i32
      %eq3A_121 = arith.constant 6 : i32
      %eq3A_122 = arith.cmpi eq, %select_n3A_120, %eq3A_121 : i32
      %select_n3A_123 = arith.constant 0 : i32
      %select_n3A_124 = arith.select %eq3A_122, %select_n3A_123, %select_n3A_120 : i32
      %add3A_125 = arith.addi %select_n3A_124, %mul3A_9 : i32
      %add3A_126 = arith.constant 1 : i32
      %add3A_127 = arith.addi %select_n3A_124, %add3A_126 : i32
      %select_n3A_128 = arith.constant true
      %select_n3A_129 = arith.select %select_n3A_128, %add3A_127, %select_n3A_124 : i32
      %eq3A_130 = arith.constant 6 : i32
      %eq3A_131 = arith.cmpi eq, %select_n3A_129, %eq3A_130 : i32
      %select_n3A_132 = arith.constant 0 : i32
      %select_n3A_133 = arith.select %eq3A_131, %select_n3A_132, %select_n3A_129 : i32
      %add3A_134 = arith.addi %select_n3A_133, %mul3A_9 : i32
      "tpu.trace_start"() <{level = 10 : i32, message = "ep_finalize"}> : () -> ()
      %rem3A_135 = arith.constant 2 : i32
      %rem3A_136 = arith.remui %scan3A_98#5, %rem3A_135 : i32
      %mul3A_137 = arith.constant 16 : i32
      %mul3A_138 = arith.muli %mul3A_137, %add3A_107 : i32
      %dma_wait3A = arith.constant 0 : i32
      %dma_wait3A_139 = arith.constant 0 : i32
      %dma_wait3A_140 = tpu.memref_slice %run_scoped3A_13[%rem3A_136, %dma_wait3A, %dma_wait3A_139] : memref<2x16x1024xf32, #tpu.memory_space<vmem>> -> memref<1x16x1024xf32, #tpu.memory_space<vmem>>
      %dma_wait3A_141 = tpu.memref_squeeze %dma_wait3A_140 : memref<1x16x1024xf32, #tpu.memory_space<vmem>> -> memref<16x1024xf32, #tpu.memory_space<vmem>>
      %dma_wait3A_142 = arith.constant 0 : i32
      %dma_wait3A_143 = tpu.memref_slice %arg8[%mul3A_138, %dma_wait3A_142] : memref<3072x1024xf32, #tpu.memory_space<hbm>> -> memref<16x1024xf32, #tpu.memory_space<hbm>>
      %dma_wait3A_144 = tpu.memref_slice %run_scoped3A_14[%rem3A_136] : memref<2x!tpu.dma_semaphore, #tpu.memory_space<semaphore_mem>> -> memref<1x!tpu.dma_semaphore, #tpu.memory_space<semaphore_mem>>
      %dma_wait3A_145 = tpu.memref_squeeze %dma_wait3A_144 : memref<1x!tpu.dma_semaphore, #tpu.memory_space<semaphore_mem>> -> memref<!tpu.dma_semaphore, #tpu.memory_space<semaphore_mem>>
      %dma_wait3A_146 = arith.constant 0 : i32
      %dma_wait3A_147 = tpu.memref_slice %arg8[%mul3A_138, %dma_wait3A_146] : memref<3072x1024xf32, #tpu.memory_space<hbm>> -> memref<16x1024xf32, #tpu.memory_space<hbm>>
      %dma_wait3A_148 = arith.constant 0 : i32
      %dma_wait3A_149 = arith.constant 0 : i32
      %dma_wait3A_150 = tpu.memref_slice %run_scoped3A_13[%rem3A_136, %dma_wait3A_148, %dma_wait3A_149] : memref<2x16x1024xf32, #tpu.memory_space<vmem>> -> memref<1x16x1024xf32, #tpu.memory_space<vmem>>
      %dma_wait3A_151 = tpu.memref_squeeze %dma_wait3A_150 : memref<1x16x1024xf32, #tpu.memory_space<vmem>> -> memref<16x1024xf32, #tpu.memory_space<vmem>>
      tpu.wait_dma2 semaphore(%dma_wait3A_145 : memref<!tpu.dma_semaphore, #tpu.memory_space<semaphore_mem>>) src(%dma_wait3A_151 : memref<16x1024xf32, #tpu.memory_space<vmem>>) dst(%dma_wait3A_147 : memref<16x1024xf32, #tpu.memory_space<hbm>>)
      "tpu.trace_stop"() : () -> ()
      tpu.yield
    }) : () -> ()
    return
  }
}

module attributes {stable_mosaic.version = 14 : i64} {
  func.func @_tc_body(%arg0: i32, %arg1: memref<1xi32, #tpu.memory_space<smem>>, %arg2: memref<168xf32, #tpu.memory_space<smem>>, %arg3: memref<168xf32, #tpu.memory_space<smem>>, %arg4: memref<168xf32, #tpu.memory_space<smem>>, %arg5: memref<1024x1024xf32, #tpu.memory_space<vmem>>, %arg6: memref<1024x1024xf32, #tpu.memory_space<vmem>>, %arg7: memref<1024x1024xf32, #tpu.memory_space<vmem>>) attributes {dimension_semantics = [#tpu.dimension_semantics<arbitrary>], iteration_bounds = array<i64: 13>, scalar_prefetch = 0 : i64, scratch_operands = 0 : i64, tpu.core_type = #tpu.core_type<tc>, window_params = [{transform_indices = @transform_0, window_bounds = array<i64: 1>}, {transform_indices = @transform_1, window_bounds = array<i64: 168>}, {transform_indices = @transform_2, window_bounds = array<i64: 168>}, {transform_indices = @transform_3, window_bounds = array<i64: 168>}, {transform_indices = @transform_4, window_bounds = array<i64: 1024, 1024>}, {transform_indices = @transform_5, window_bounds = array<i64: 1024, 1024>}, {transform_indices = @transform_6, window_bounds = array<i64: 1024, 1024>}]} {
    %get3A = arith.constant 0 : index
    %get3A_0 = memref.load %arg1[%get3A] : memref<1xi32, #tpu.memory_space<smem>>
    %get3A_1 = arith.index_cast %get3A_0 : i32 to index
    %get3A_2 = memref.load %arg2[%get3A_1] : memref<168xf32, #tpu.memory_space<smem>>
    %get3A_3 = arith.index_cast %get3A_0 : i32 to index
    %get3A_4 = memref.load %arg3[%get3A_3] : memref<168xf32, #tpu.memory_space<smem>>
    %get3A_5 = arith.index_cast %get3A_0 : i32 to index
    %get3A_6 = memref.load %arg4[%get3A_5] : memref<168xf32, #tpu.memory_space<smem>>
    %get3A_7 = arith.constant 0 : index
    %get3A_8 = arith.constant 0 : index
    %get3A_9 = vector.load %arg5[%get3A_7, %get3A_8] : memref<1024x1024xf32, #tpu.memory_space<vmem>>, vector<1024x1024xf32>
    %mul3A = vector.broadcast %get3A_4 : f32 to vector<1024x1024xf32>
    %mul3A_10 = arith.mulf %mul3A, %get3A_9 : vector<1024x1024xf32>
    %add3A = vector.broadcast %get3A_2 : f32 to vector<1024x1024xf32>
    %add3A_11 = arith.addf %add3A, %mul3A_10 : vector<1024x1024xf32>
    %get3A_12 = arith.constant 0 : index
    %get3A_13 = arith.constant 0 : index
    %get3A_14 = vector.load %arg6[%get3A_12, %get3A_13] : memref<1024x1024xf32, #tpu.memory_space<vmem>>, vector<1024x1024xf32>
    %mul3A_15 = vector.broadcast %get3A_6 : f32 to vector<1024x1024xf32>
    %mul3A_16 = arith.mulf %mul3A_15, %get3A_14 : vector<1024x1024xf32>
    %add3A_17 = arith.addf %add3A_11, %mul3A_16 : vector<1024x1024xf32>
    %swap3A = arith.constant 0 : index
    %swap3A_18 = arith.constant 0 : index
    %swap3A_19 = vector.load %arg7[%swap3A, %swap3A_18] : memref<1024x1024xf32, #tpu.memory_space<vmem>>, vector<1024x1024xf32>
    tpu.vector_store %arg7[%swap3A, %swap3A_18], %add3A_17 {strides = array<i32>} : memref<1024x1024xf32, #tpu.memory_space<vmem>>, vector<1024x1024xf32>,
    return
  }
  func.func @transform_0(%arg0: i32) -> i32 {
    %c0_i32 = arith.constant 0 : i32
    %c0_i32_0 = arith.constant 0 : i32
    return %c0_i32 : i32
  }
  func.func @transform_1(%arg0: i32) -> i32 {
    %c0_i32 = arith.constant 0 : i32
    %c0_i32_0 = arith.constant 0 : i32
    return %c0_i32 : i32
  }
  func.func @transform_2(%arg0: i32) -> i32 {
    %c0_i32 = arith.constant 0 : i32
    %c0_i32_0 = arith.constant 0 : i32
    return %c0_i32 : i32
  }
  func.func @transform_3(%arg0: i32) -> i32 {
    %c0_i32 = arith.constant 0 : i32
    %c0_i32_0 = arith.constant 0 : i32
    return %c0_i32 : i32
  }
  func.func @transform_4(%arg0: i32) -> (i32, i32) {
    %add3A = arith.constant 3 : i32
    %add3A_0 = arith.addi %arg0, %add3A : i32
    %c0_i32 = arith.constant 0 : i32
    %c0_i32_1 = arith.constant 0 : i32
    return %add3A_0, %c0_i32 : i32, i32
  }
  func.func @transform_5(%arg0: i32) -> (i32, i32) {
    %add3A = arith.constant 3 : i32
    %add3A_0 = arith.addi %arg0, %add3A : i32
    %c0_i32 = arith.constant 0 : i32
    %c0_i32_1 = arith.constant 0 : i32
    return %add3A_0, %c0_i32 : i32, i32
  }
  func.func @transform_6(%arg0: i32) -> (i32, i32) {
    %add3A = arith.constant 3 : i32
    %add3A_0 = arith.addi %arg0, %add3A : i32
    %c0_i32 = arith.constant 0 : i32
    %c0_i32_1 = arith.constant 0 : i32
    return %add3A_0, %c0_i32 : i32, i32
  }
}

</mosaic_0001>

<sc_bundles>
// kernel: kernel.4.cloned.1.call-start
scs
__scs_entry_jumppad:
0x0: {  	(pc) =	sbr.rel $0x88, $3  }
0x1: {  	(tag) =	ssettag $0x0;
	lr =	simm.s32 $0x1  }
0x2: {  	[smem:$0x3F9B] =	sst lr;
	_ =	strace $0xD0000000  }
0x3: {  	_ = 	snop  }
0x4: {  	_ = 	snop  }
0x5: {  	_ = 	snop  }
0x6: {  	_ = 	snop  }
0x7: {  	_ = 	snop  }
__scs_overlays_trampoline_lowered:
0x8: {  	[smem:$0x3FAA] =	sst s0  }
0x9: {  	[smem:$0x3FAB] =	sst s1  }
0xa: {  	[smem:$0x3FAC] =	sst s2  }
0xb: {  	[smem:$0x3FAD] =	sst s3  }
0xc: {  	[smem:$0x3FAE] =	sst s4  }
0xd: {  	[smem:$0x3FAF] =	sst s5  }
0xe: {  	[smem:$0x3FB0] =	sst s6  }
0xf: {  	[smem:$0x3FB1] =	sst s7  }
0x10: {  	[smem:$0x3FB2] =	sst s8  }
0x11: {  	[smem:$0x3FB3] =	sst s9;
	s0 =	simm.s32 @!p0 $0x0  }
0x12: {  	s1 =	sld [smem:$0x3F99];
	s0 =	simm.s32 @p0 $0x1  }
0x13: {  	[smem:$0x3FB4] =	sst s0;
	s0 =	simm.s32 @!p1 $0x0  }
0x14: {  	s2 =	sld [smem:$0x3F98];
	s0 =	simm.s32 @p1 $0x1  }
0x15: {  	[smem:$0x3FB5] =	sst s0;
	s0 =	simm.s32 @!p2 $0x0  }
0x16: {  	s3 =	sld [smem:$0x3FDB];
	s0 =	simm.s32 @p2 $0x1  }
0x17: {  	s4 =	simm.s32 $0x1BF5;
	[smem:$0x3FB7] =	sst s0  }
0x18: {  	s0 =	sld [smem:$0x3F9A];
	_ =	swait.ge [sflag:s4], $0x0  }
0x19: {  	s7 =	sld [smem:$0x3F9B]  }
0x1a: {  	s8 =	sadd.s32 $0xFFFFE003, lr  }
0x1b: {  	s9 =	sadd.s32 $0xFFFFFEF7, lr;
	s5 =	simm.s32 $0xFFFFFFFF;
	p2 =	slt.u32 s8, $0xFFFFF086  }
0x1c: {  	p1 =	slt.u32 s9, $0xF7A;
	s5 =	simm.s32 @!p2 $0x0  }
0x1d: {  	s5 =	simm.s32 @p1 $0x1;
	p0 =	seq.s32 s7, s2  }
0x1e: {  	s7 =	smul.u32 @!p0 $0xF7A, s2;
	p2 =	seq.s32 @!p0 s5, $0x0  }
0x1f: {  	s9 =	smul.u32 $0xF7A, s1;
	s8 =	simm.s32 @!p0 $0x1BF5;
	p2 =	por !p2, p0  }
0x20: {  	[sflag:s8] =	ssyncset.s32 @!p0 $0xFFFFF086;
	s6 =	sadd.s32 @!p0 s3, s7;
	s7 =	simm.s32 @!p0 $0x108  }
0x21: {  	s3 =	sadd.s32 s3, s9;
	s6 =	sadd.s32 @!p0 $0x88, s6;
	s7 =	simm.s32 @p2 $0x1082  }
0x22: {  	[simem:s7], [sflag:s8] =	dma.local @!p0 [hbm:s6], $0xF7A  }
0x23: {  	s9 =	sor.u32 $0xD0000000, s2;
	s6 =	simm.s32 $0x108;
	_ =	swait.ge @!p0 [sflag:s8], $0x0  }
0x24: {  	s3 =	sadd.s32 $0x88, s3;
	s6 =	simm.s32 @!p1 $0x1082;
	[sflag:s4] =	ssyncset.s32 $0xFFFFF086  }
0x25: {  	[simem:s6], [sflag:s4] =	dma.local [hbm:s3], $0xF7A  }
0x26: {  	[smem:$0x3F9B] =	sst s1;
	(tag) =	ssettag s2;
	_ =	strace s9  }
0x27: {  	s1 =	sld [smem:$0x3FAB]  }
0x28: {  	s2 =	sld [smem:$0x3FAC]  }
0x29: {  	s4 =	sld [smem:$0x3FAE]  }
0x2a: {  	p0 =	seq.s32 s5, $0x0;
	s5 =	sld [smem:$0x3FAF]  }
0x2b: {  	s6 =	sld [smem:$0x3FB0]  }
0x2c: {  	s7 =	sld [smem:$0x3FB1]  }
0x2d: {  	s3 =	simm.s32 $0x108;
	s8 =	sld [smem:$0x3FB2]  }
0x2e: {  	s3 =	simm.s32 @!p0 $0x1082;
	s9 =	sld [smem:$0x3FB3]  }
0x2f: {  	lr =	sadd.s32 s0, s3;
	s0 =	sld [smem:$0x3FAA]  }
0x30: {  	s3 =	sld [smem:$0x3FAD]  }
0x31: {  	[smem:$0x3FB6] =	sst s10  }
0x32: {  	s10 =	sld [smem:$0x3FB4];
	_ =	sdelay $0x3  }
0x33: {  	p0 =	seq.s32 s10, $0x1;
	s10 =	sld [smem:$0x3FB6];
	_ =	sdelay $0x3  }
0x34: {  	[smem:$0x3FB6] =	sst s10  }
0x35: {  	s10 =	sld [smem:$0x3FB5];
	_ =	sdelay $0x3  }
0x36: {  	p1 =	seq.s32 s10, $0x1;
	s10 =	sld [smem:$0x3FB6];
	_ =	sdelay $0x3  }
0x37: {  	[smem:$0x3FB6] =	sst s10  }
0x38: {  	s10 =	sld [smem:$0x3FB7]  }
0x39: {  	_ = 	snop;
	(pc) =	sbr.ind lr, $3  }
0x3a: {  	_ = 	snop  }
0x3b: {  	_ = 	snop  }
0x3c: {  	p2 =	seq.s32 s10, $0x1;
	s10 =	sld [smem:$0x3FB6]  }
0x3d: {  	_ =	shalt  }
0x3e: {  	_ =	shalt  }
0x3f: {  	_ =	shalt  }
0x40: {  	_ =	shalt  }
0x41: {  	_ =	shalt  }
0x42: {  	_ =	shalt  }
0x43: {  	_ =	shalt  }
0x44: {  	_ =	shalt  }
0x45: {  	_ =	shalt  }
0x46: {  	_ =	shalt  }
0x47: {  	_ =	shalt  }
0x48: {  	_ =	shalt  }
0x49: {  	_ =	shalt  }
0x4a: {  	_ =	shalt  }
0x4b: {  	_ =	shalt  }
0x4c: {  	_ =	shalt  }
0x4d: {  	_ =	shalt  }
0x4e: {  	_ =	shalt  }
0x4f: {  	_ =	shalt  }
0x50: {  	_ =	shalt  }
0x51: {  	_ =	shalt  }
0x52: {  	_ =	shalt  }
0x53: {  	_ =	shalt  }
0x54: {  	_ =	shalt  }
0x55: {  	_ =	shalt  }
0x56: {  	_ =	shalt  }
0x57: {  	_ =	shalt  }
0x58: {  	_ =	shalt  }
0x59: {  	_ =	shalt  }
0x5a: {  	_ =	shalt  }
0x5b: {  	_ =	shalt  }
0x5c: {  	_ =	shalt  }
0x5d: {  	_ =	shalt  }
0x5e: {  	_ =	shalt  }
0x5f: {  	_ =	shalt  }
0x60: {  	_ =	shalt  }
0x61: {  	_ =	shalt  }
0x62: {  	_ =	shalt  }
0x63: {  	_ =	shalt  }
0x64: {  	_ =	shalt  }
0x65: {  	_ =	shalt  }
0x66: {  	_ =	shalt  }
0x67: {  	_ =	shalt  }
0x68: {  	_ =	shalt  }
0x69: {  	_ =	shalt  }
0x6a: {  	_ =	shalt  }
0x6b: {  	_ =	shalt  }
0x6c: {  	_ =	shalt  }
0x6d: {  	_ =	shalt  }
0x6e: {  	_ =	shalt  }
0x6f: {  	_ =	shalt  }
0x70: {  	_ =	shalt  }
0x71: {  	_ =	shalt  }
0x72: {  	_ =	shalt  }
0x73: {  	_ =	shalt  }
0x74: {  	_ =	shalt  }
0x75: {  	_ =	shalt  }
0x76: {  	_ =	shalt  }
0x77: {  	_ =	shalt  }
0x78: {  	_ =	shalt  }
0x79: {  	_ =	shalt  }
0x7a: {  	_ =	shalt  }
0x7b: {  	_ =	shalt  }
0x7c: {  	_ =	shalt  }
0x7d: {  	_ =	shalt  }
0x7e: {  	_ =	shalt  }
0x7f: {  	_ =	shalt  }
0x80: {  	_ =	shalt  }
0x81: {  	_ =	shalt  }
0x82: {  	_ =	shalt  }
0x83: {  	_ =	shalt  }
0x84: {  	_ =	shalt  }
0x85: {  	_ =	shalt  }
0x86: {  	_ =	shalt  }
0x87: {  	_ =	shalt  }
.Lfunc_end0:
.L_simem_size_0:
called_computation_lowered:
.L_overlay_start_0:
0x88: {  	s2 =	sld [smem:$0x3FD9]  }
0x89: {  	s3 =	sld [smem:$0x3FFE];
	_ =	sdelay $0x1  }
0x8a: {  	s1 =	srdreg.scid  }
0x8b: {  	s0 =	sand.u32 $0x1, s1  }
0x8c: {  	s17 =	sshll.u32 s0, $0xA;
	s2 =	sadd.s32 s3, s2  }
0x8d: {  	s2 =	sadd.s32 s2, s17  }
0x8e: {  	[smem:$0x3FC2] =	sst s2  }
0x8f: {  	_ = 	snop  }
0x90: {  	s2 =	sld [smem:$0x3FC8]  }
0x91: {  	s18 =	sld [smem:$0x3FC7]  }
0x92: {  	s4 =	sld [smem:$0x3FC6]  }
0x93: {  	s5 =	sld [smem:$0x3FC5]  }
0x94: {  	s6 =	sld [smem:$0x3FC4];
	(tm) =	ssettm $0x1  }
0x95: {  	s7 =	sld [smem:$0x3FFB];
	_ =	sdelay $0x3  }
0x96: {  	_ =	strace s7  }
0x97: {  	s7 =	sld [smem:$0x3FFC];
	_ =	sdelay $0x3  }
0x98: {  	_ =	strace s7  }
0x99: {  	s7 =	sld [smem:$0x3FFD];
	_ =	sdelay $0x3  }
0x9a: {  	_ =	strace s7  }
0x9b: {  	_ =	strace $0x8FFFFFFF  }
0x9c: {  	s19 =	sld [smem:$0x3FDB];
	_ =	sdelay $0x1  }
0x9d: {  	s8 =	simm.s32 $_scs_section_size  }
0x9e: {  	s9 =	simm.s32 $_size__tile_overlayer_lowered;
	s10 =	simm.s32 $_tile_overlayer_lowered  }
0x9f: {  	s22 =	simm.s32 $0x1BFF;
	s21 =	sshll.u32 s10, $0x1;
	s7 =	sadd.s32 s8, s19  }
0xa0: {  	s11 =	simm.s32 $0x0;
	s20 =	sshll.u32 s9, $0x1;
	s9 =	sadd.s32 s21, s7  }
0xa1: {  	[timem:s11], [sflag:s22] =	dma.local [hbm:s9], s20  }
0xa2: {  	_ =	swait.ge [sflag:s22], s20  }
0xa3: {  	s8 =	ssub.s32 $0x0, s20;
	[sflag:s22] =	ssyncset.done $0x0  }
0xa4: {  	[sflag:s22] =	ssyncadd.s32 s8;
	_ =	sdelay $0x1  }
0xa5: {  	s23 =	simm.s32 $0x1B8B  }
0xa6: {  	_ =	swait.ge [sflag:s23], $0x1  }
0xa7: {  	[sflag:s23] =	ssyncset.done $0x0  }
0xa8: {  	s25 =	simm.s32 $0x1B8E;
	s24 =	sld [smem:$0x3FFE];
	[sflag:s23] =	ssyncadd.s32 $0xFFFFFFFF  }
0xa9: {  	s26 =	simm.s32 $execute0_lowered;
	[smem:$0x3FD2] =	sst s25  }
0xaa: {  	s9 =	sshll.u32 s26, $0x1;
	_ =	strace $0x80000046;
	[dreg:$0x1] =	wrdreg $0xFFFFFFFF  }
0xab: {  	s28 =	simm.s32 $_size_execute0_lowered;
	s7 =	sadd.s32 s7, s9;
	[dreg:$0x0] =	wrdreg $0x0  }
0xac: {  	s9 =	sshll.u32 s28, $0x1;
	[dreg:$0x2] =	wrdreg s7  }
0xad: {  	[dreg:$0x3] =	wrdreg s9  }
0xae: {  	[dreg:$0x4] =	wrdreg $0xC0  }
0xaf: {  	_ =	task [dreg:s11], $0x5FFFF  }
0xb0: {  	[dreg:$0x1] =	wrdreg $0xFFFFFFFF  }
0xb1: {  	[dreg:$0x0] =	wrdreg $0x60  }
0xb2: {  	[dreg:$0x2] =	wrdreg s24  }
0xb3: {  	[dreg:$0x3] =	wrdreg s4  }
0xb4: {  	[dreg:$0x4] =	wrdreg s5  }
0xb5: {  	[dreg:$0x5] =	wrdreg s6  }
0xb6: {  	[dreg:$0x6] =	wrdreg s2  }
0xb7: {  	[dreg:$0x7] =	wrdreg s18  }
0xb8: {  	[dreg:$0x8] =	wrdreg $0x9  }
0xb9: {  	_ =	task.clear_ibuf [dreg:s11], $0x9FFFF;
	_ =	strace $0x90000046  }
0xba: {  	s29 =	simm.s32 $0x9;
	_ =	strace $0x80000051  }
0xbb: {  	_ =	swait.ge [sflag:s29], $0x1  }
0xbc: {  	[sflag:s29] =	ssyncadd.s32 $0xFFFFFFFF  }
0xbd: {  	_ =	strace $0x90000051  }
0xbe: {  	_ =	sfence  }
0xbf: {  	s30 =	sld [smem:$0x0];
	_ =	sdelay $0x2  }
0xc0: {  	s31 =	sshll.u32 s1, $0xD;
	s1 =	sshrl.u32 s1, $0x2  }
0xc1: {  	s3 =	sand.u32 $0x4000, s31;
	s1 =	sadd.s32 s1, s30  }
0xc2: {  	s0 =	sor.u32 s3, s0;
	s1 =	sshll.u32 s1, $0x11  }
0xc3: {  	s0 =	sor.u32 s1, s0  }
0xc4: {  	s0 =	sadd.s32 $0x8F2B, s0  }
0xc5: {  	[sflag:s0] =	ssyncadd.remote.s32 $0x1  }
0xc6: {  	_ =	sfence.sel $0xFFFF  }
0xc7: {  	[dreg:$0x0] =	wrdreg $0xFFFFFFFF;
	(pc) =	sbr.abs _section_cstart, $3  }
0xc8: {  	[dreg:$0x1] =	wrdreg $0xFFFFFFFF  }
0xc9: {  	_ =	task.clear_ibuf [dreg:s11], $0x2FFFF;
	_ =	strace $0x9FFFFFFF  }
0xca: {  	(tm) =	ssettm $0x7FFFFFFF  }
0xcb: {  	_ =	shalt  }
tec
execute0_lowered:
.L_overlay_start_1:
0x0: {  	(tag) =	ssettag $0x1  }
0x1: {  	s0 =	rddreg [dreg:$0x0]  }
0x2: {  	s4 =	rddreg [dreg:$0x4]  }
0x3: {  	s5 =	rddreg [dreg:$0x5];
	s1 =	srdreg.scid  }
0x4: {  	s7 =	simm.s32 $0x0;
	s3 =	stileid.u32;
	s1 =	sand.u32 $0x1, s1  }
0x5: {  	[smem:$0x7FF] =	sst s7;
	s2 =	sshll.u32 s1, $0x4;
	s1 =	ssub.s32 $0x2, s1  }
0x6: {  	s8 =	sadd.s32 $0xC00, s0;
	s2 =	sor.u32 s3, s2;
	s28 =	sshrl.u32 s1, $0x1  }
0x7: {  	s9 =	sadd.s32 $0xE00, s0;
	s6 =	smul.u32 $0x3000, s2;
	s29 =	ssub.s32 s1, s28  }
0x8: {  	_ =	strace $0x80000047;
	[dreg:$0x7] =	wrdreg s8;
	s0 =	smax.u32 s29, $0x1  }
0x9: {  	s19 =	simm.s32 $0x1;
	s30 =	sadd.s32 s4, s6;
	[dreg:$0xa] =	wrdreg s0  }
0xa: {  	s20 =	simm.s32 $0x7;
	s31 =	sadd.s32 s5, s6;
	[dreg:$0x8] =	wrdreg s30  }
0xb: {  	s21 =	simm.s32 $0x0;
	s10 =	smul.u32 $0x6, s2;
	[dreg:$0x9] =	wrdreg s31  }
.LBB2_1:
0xc: {  	s0 =	rddreg [dreg:$0x7]  }
0xd: {  	[tilespmem:s7], [sflag:$0x1] =	stream.linear.gather [hbm4b:s0+s7], $0x80, $0x38;
	[tilespmem:$0x18380] =	vst v63  }
0xe: {  	_ =	swait.ge [sflag:s19], $0x80  }
0xf: {  	[sflag:s19] =	ssyncset.done $0x0  }
0x10: {  	[sflag:s19] =	ssyncadd.s32 $0xFFFFFF80  }
0x11: {  	s1 =	simm.s32 $0x80;
	s18 =	rddreg [dreg:$0x1]  }
0x12: {  	[tilespmem:s1], [sflag:$0x1] =	stream.linear.gather [hbm4b:s18+s7], $0x100, $0x38;
	[tilespmem:$0x18380] =	vst v63  }
0x13: {  	_ =	swait.ge [sflag:s19], $0x100  }
0x14: {  	[sflag:s19] =	ssyncset.done $0x0  }
0x15: {  	[sflag:s19] =	ssyncadd.s32 $0xFFFFFF00  }
0x16: {  	s2 =	simm.s32 $0x180;
	s22 =	rddreg [dreg:$0x2]  }
0x17: {  	[tilespmem:s2], [sflag:$0x1] =	stream.linear.gather [hbm4b:s22+s7], $0x100, $0x38;
	[tilespmem:$0x18380] =	vst v63  }
0x18: {  	_ =	swait.ge [sflag:s19], $0x100  }
0x19: {  	[sflag:s19] =	ssyncset.done $0x0  }
0x1a: {  	[sflag:s19] =	ssyncadd.s32 $0xFFFFFF00  }
0x1b: {  	s3 =	simm.s32 $0x280;
	s23 =	rddreg [dreg:$0x3]  }
0x1c: {  	[tilespmem:s3], [sflag:$0x1] =	stream.linear.gather [hbm4b:s23+s7], $0x100, $0x38;
	[tilespmem:$0x18380] =	vst v63  }
0x1d: {  	_ =	swait.ge [sflag:s19], $0x100  }
0x1e: {  	[sflag:s19] =	ssyncset.done $0x0  }
0x1f: {  	[sflag:s19] =	ssyncadd.s32 $0xFFFFFF00  }
0x20: {  	v2 =	vld [tilespmem:$0x0];
	_ =	sdelay $0x7  }
0x21: {  	v0 =	vld.idx.msk [tilespmem:v2+s1+$0x0], $0xffff  }
0x22: {  	s25 =	simm.s32 $0x380;
	s30 =	simm.s32 $0x8380;
	v1 =	vld.idx.msk [tilespmem:v2+s2+$0x0], $0xffff  }
0x23: {  	s31 =	simm.s32 $0x0;
	s28 =	simm.s32 $0x1;
	v2 =	vld.idx.msk [tilespmem:v2+s3+$0x0], $0xffff;
	_ =	strace $0x80000048  }
0x24: {  	s29 =	simm.s32 $0x0;
	s22 =	simm.s32 $0x0;
	s24 =	rddreg [dreg:$0x8]  }
0x25: {  	[tilespmem:s25], [sflag:$0x2] =	stream.linear.gather [hbm4b:s24+s7], $0x4000, $0x200038;
	[tilespmem:$0x18380] =	vst v63  }
0x26: {  	s23 =	simm.s32 $0x0;
	s26 =	rddreg [dreg:$0x9];
	s24 =	simm.s32 $0x0  }
0x27: {  	[tilespmem:s30], [sflag:$0x4] =	stream.linear.gather [hbm4b:s26+s7], $0x4000, $0x200038;
	[tilespmem:$0x18380] =	vst v63  }
0x28: {  	s25 =	simm.s32 $0x1;
	s26 =	simm.s32 $0x0;
	_ =	strace $0x90000048  }
.LBB2_2:
0x29: {  	s30 =	sadd.s32 $0x1, s31  }
0x2a: {  	p0 =	seq.s32 s30, $0x6  }
0x2b: {  	s30 =	simm.s32 @p0 $0x0;
	p0 =	seq.s32 s29, $0x5  }
0x2c: {  	p1 =	seq.s32 @!p0 s31, s30  }
0x2d: {  	p2 =	por p1, p0  }
0x2e: {  	s0 =	sadd.s32 @!p2 s10, s30  }
0x2f: {  	s2 =	sand.u32 @!p2 $0x1, s28;
	_ =	strace @!p2 $0x80000049;
	s0 =	sshll.u32 @!p2 s0, $0xB  }
0x30: {  	s8 =	simm.s32 @!p2 $0x0;
	s3 =	sshll.u32 @!p2 s2, $0xE;
	s0 =	sand.u32 @!p2 $0x1FFFF800, s0  }
0x31: {  	s2 =	sor.u32 @!p2 $0x2, s2;
	s3 =	sor.u32 @!p2 $0x380, s3;
	s6 =	sadd.s32 @!p2 s4, s0  }
0x32: {  	[tilespmem:s3], [sflag:s2] =	stream.linear.gather @!p2 [hbm4b:s6+s8], $0x4000, $0x200038;
	[tilespmem:$0x18380] =	vst v63  }
0x33: {  	s2 =	sand.u32 @!p2 $0x1, s25  }
0x34: {  	s0 =	sadd.s32 @!p2 s5, s0;
	_ =	strace @!p2 $0x90000049;
	s3 =	sshll.u32 @!p2 s2, $0xE  }
0x35: {  	s2 =	sor.u32 @!p2 $0x4, s2;
	_ =	strace @!p2 $0x8000004A;
	s3 =	sor.u32 @!p2 $0x8380, s3  }
0x36: {  	[tilespmem:s3], [sflag:s2] =	stream.linear.gather @!p2 [hbm4b:s0+s8], $0x4000, $0x200038;
	[tilespmem:$0x18380] =	vst v63  }
0x37: {  	s1 =	smov.u32 s28;
	s14 =	sand.u32 $0x1, s26;
	_ =	strace @!p2 $0x9000004A  }
0x38: {  	s16 =	sand.u32 $0x1, s24;
	s15 =	sor.u32 $0x2, s14;
	_ =	strace $0x8000004B  }
0x39: {  	p1 =	por !p1, p0;
	s11 =	sadd.s32 @!p2 $0x1, s28;
	_ =	swait.ge [sflag:s15], $0x4000  }
0x3a: {  	s17 =	sor.u32 $0x4, s16;
	s28 =	smov.u32 @p1 s11;
	[sflag:s15] =	ssyncset.done $0x0  }
0x3b: {  	s28 =	smov.u32 @p0 s1;
	s1 =	sand.u32 $0x1, s23;
	[sflag:s15] =	ssyncadd.s32 $0xFFFFC000  }
0x3c: {  	s18 =	sshll.u32 s1, $0xE;
	s6 =	sadd.s32 s10, s31;
	_ =	strace $0x9000004B  }
0x3d: {  	s0 =	simm.s32 $0x0;
	s2 =	sor.u32 $0x10380, s18;
	_ =	strace $0x8000004C  }
0x3e: {  	s3 =	sshll.u32 s14, $0xE;
	s8 =	sshll.u32 s16, $0xE;
	_ =	swait.ge [sflag:s17], $0x4000  }
0x3f: {  	s18 =	sor.u32 $0x103C0, s18;
	s14 =	simm.s32 $0x0;
	[sflag:s17] =	ssyncset.done $0x0  }
0x40: {  	s0 =	simm.s32 @p1 $0x1;
	s3 =	sor.u32 $0x3C0, s3;
	[sflag:s17] =	ssyncadd.s32 $0xFFFFC000  }
0x41: {  	s0 =	simm.s32 @p0 $0x0;
	s15 =	simm.s32 $0x0;
	_ =	strace $0x9000004C  }
0x42: {  	s17 =	sor.u32 $0x83C0, s8;
	s8 =	simm.s32 $0x0;
	_ =	strace $0x8000004D  }
.LBB2_3:
0x43: {  	s11 =	sshll.u32 s14, $0x2;
	s12 =	sand.u32 $0x7, s8  }
0x44: {  	s11 =	sand.u32 $0xFFFF8000, s11;
	s12 =	sshll.u32 s12, $0x9  }
0x45: {  	s11 =	sor.u32 s12, s11  }
0x46: {  	s11 =	sshrl.u32 s11, $0x2  }
0x47: {  	s13 =	sadd.s32 s11, s3  }
0x48: {  	v3 =	vld [tilespmem:s13+$0x30]  }
0x49: {  	s16 =	sadd.s32 s11, s17;
	v4 =	vld [tilespmem:s13+$0xFFFFFFD0]  }
0x4a: {  	v5 =	vld [tilespmem:s16+$0x30]  }
0x4b: {  	v6 =	vld [tilespmem:s13+$0xFFFFFFE0]  }
0x4c: {  	v7 =	vld [tilespmem:s13+$0xFFFFFFF0]  }
0x4d: {  	v8 =	vld [tilespmem:s13+$0x0]  }
0x4e: {  	v10 =	vld [tilespmem:s13+$0x10]  }
0x4f: {  	v11 =	vld [tilespmem:s13+$0x20];
	v3 =	vmul.f32 v3, v1  }
0x50: {  	v12 =	vld [tilespmem:s13+$0xFFFFFFC0];
	v4 =	vmul.f32 v4, v1  }
0x51: {  	v16 =	vld [tilespmem:s16+$0xFFFFFFD0];
	v5 =	vmul.f32 v5, v2;
	v6 =	vmul.f32 v6, v1;
	v9 =	vadd.f32 v3, v0  }
0x52: {  	v13 =	vld [tilespmem:s16+$0xFFFFFFC0];
	v7 =	vmul.f32 v7, v1;
	v3 =	vadd.f32 v4, v0  }
0x53: {  	v14 =	vmul.f32 v10, v1;
	v4 =	vadd.f32 v6, v0;
	v15 =	vadd.f32 v5, v9;
	v9 =	vld [tilespmem:s16+$0xFFFFFFE0]  }
0x54: {  	v10 =	vld [tilespmem:s16+$0xFFFFFFF0];
	v6 =	vadd.f32 v7, v0;
	v7 =	vmul.f32 v11, v1;
	v5 =	vmul.f32 v8, v1  }
0x55: {  	v17 =	vmul.f32 v12, v1;
	v11 =	vld [tilespmem:s16+$0x0]  }
0x56: {  	s11 =	sadd.s32 s11, s18;
	v12 =	vld [tilespmem:s16+$0x10];
	v16 =	vmul.f32 v16, v2;
	v7 =	vadd.f32 v7, v0;
	v8 =	vadd.f32 v5, v0  }
0x57: {  	s12 =	simm.s32 $0x0;
	s13 =	sadd.s32 $0x400, s13;
	v5 =	vadd.f32 v14, v0;
	v14 =	vmul.f32 v13, v2;
	[tilespmem:s11+$0x30] =	vst v15;
	v15 =	vadd.f32 v17, v0;
	v13 =	vld [tilespmem:s16+$0x20]  }
.LBB2_4:
0x58: {  	v17 =	vld [tilespmem:s13+$0x30];
	s12 =	sadd.s32 $0x80, s12;
	v9 =	vmul.f32 v9, v2  }
0x59: {  	s16 =	sadd.s32 $0x400, s16;
	v18 =	vld [tilespmem:s13+$0xFFFFFFD0];
	p1 =	slt.u32 s12, $0x380;
	v14 =	vadd.f32 v14, v15;
	v3 =	vadd.f32 v16, v3;
	v10 =	vmul.f32 v10, v2  }
0x5a: {  	v15 =	vld [tilespmem:s16+$0x30];
	v4 =	vadd.f32 v9, v4;
	v9 =	vmul.f32 v11, v2  }
0x5b: {  	v11 =	vld [tilespmem:s13+$0xFFFFFFE0];
	[tilespmem:s11+$0xFFFFFFC0] =	vst v14;
	v6 =	vadd.f32 v10, v6;
	v10 =	vmul.f32 v12, v2  }
0x5c: {  	v12 =	vld [tilespmem:s13+$0xFFFFFFF0];
	[tilespmem:s11+$0xFFFFFFD0] =	vst v3;
	v3 =	vadd.f32 v9, v8;
	v8 =	vmul.f32 v13, v2  }
0x5d: {  	v9 =	vld [tilespmem:s13+$0x0];
	v13 =	vmul.f32 v17, v1;
	[tilespmem:s11+$0xFFFFFFE0] =	vst v4;
	v4 =	vadd.f32 v10, v5  }
0x5e: {  	v5 =	vmul.f32 v18, v1;
	v10 =	vld [tilespmem:s13+$0x10];
	[tilespmem:s11+$0xFFFFFFF0] =	vst v6;
	v6 =	vadd.f32 v8, v7  }
0x5f: {  	v7 =	vld [tilespmem:s13+$0x20];
	v8 =	vadd.f32 v13, v0;
	v13 =	vmul.f32 v15, v2;
	[tilespmem:s11+$0x0] =	vst v3  }
0x60: {  	v14 =	vld [tilespmem:s13+$0xFFFFFFC0];
	v3 =	vadd.f32 v5, v0;
	v5 =	vmul.f32 v11, v1;
	[tilespmem:s11+$0x10] =	vst v4  }
0x61: {  	v15 =	vld [tilespmem:s16+$0xFFFFFFC0];
	v11 =	vmul.f32 v12, v1;
	v8 =	vadd.f32 v13, v8;
	[tilespmem:s11+$0x20] =	vst v6  }
0x62: {  	s11 =	sadd.s32 $0x400, s11;
	v13 =	vld [tilespmem:s16+$0xFFFFFFD0];
	v4 =	vadd.f32 v5, v0;
	v5 =	vmul.f32 v9, v1  }
.Ltmp0:
0x63: {  	v9 =	vld [tilespmem:s16+$0xFFFFFFE0];
	v6 =	vadd.f32 v11, v0;
	v12 =	vmul.f32 v10, v1;
	[tilespmem:s11+$0x30] =	vst v8;
	(pc) =	sbr.rel @p1 .LBB2_4-.Ltmp0, $4  }
0x64: {  	v10 =	vld [tilespmem:s16+$0xFFFFFFF0];
	v8 =	vadd.f32 v5, v0;
	v7 =	vmul.f32 v7, v1  }
0x65: {  	v16 =	vmul.f32 v14, v1;
	v11 =	vld [tilespmem:s16+$0x0];
	v5 =	vadd.f32 v12, v0  }
0x66: {  	v14 =	vmul.f32 v15, v2;
	v12 =	vld [tilespmem:s16+$0x10];
	v7 =	vadd.f32 v7, v0  }
0x67: {  	s13 =	sadd.s32 $0x400, s13;
	v15 =	vadd.f32 v16, v0;
	v16 =	vmul.f32 v13, v2;
	v13 =	vld [tilespmem:s16+$0x20]  }
0x68: {  	_ = 	snop  }
0x69: {  	v9 =	vmul.f32 v9, v2;
	v14 =	vadd.f32 v14, v15  }
0x6a: {  	v3 =	vadd.f32 v16, v3;
	v10 =	vmul.f32 v10, v2  }
0x6b: {  	s15 =	sadd.s32 $0x1, s15;
	v4 =	vadd.f32 v9, v4;
	v59 =	vmul.f32 v11, v2;
	[tilespmem:s11+$0xFFFFFFC0] =	vst v14  }
0x6c: {  	p1 =	sne.s32 s15, $0x10;
	v6 =	vadd.f32 v10, v6;
	v60 =	vmul.f32 v12, v2;
	[tilespmem:s11+$0xFFFFFFD0] =	vst v3  }
.Ltmp1:
0x6d: {  	v3 =	vadd.f32 v59, v8;
	v61 =	vmul.f32 v13, v2;
	[tilespmem:s11+$0xFFFFFFE0] =	vst v4;
	(pc) =	sbr.rel @p1 .LBB2_3-.Ltmp1, $4  }
0x6e: {  	v62 =	vadd.f32 v60, v5;
	[tilespmem:s11+$0xFFFFFFF0] =	vst v6  }
0x6f: {  	v63 =	vadd.f32 v61, v7;
	[tilespmem:s11+$0x0] =	vst v3  }
0x70: {  	[tilespmem:s11+$0x10] =	vst v62  }
0x71: {  	s14 =	sadd.s32 $0x400, s14;
	s8 =	sadd.s32 $0x1, s8;
	[tilespmem:s11+$0x20] =	vst v63  }
0x72: {  	p1 =	sne.s32 s31, s30  }
0x73: {  	p0 =	por p0, p1  }
0x74: {  	_ =	strace $0x9000004D;
	s25 =	sadd.s32 s25, s0;
	s3 =	sshll.u32 @p0 s6, $0xB  }
0x75: {  	s0 =	simm.s32 $0x1;
	_ =	strace @p0 $0x8000004E;
	s3 =	sand.u32 @p0 $0x1FFFF800, s3  }
0x76: {  	s1 =	sor.u32 @p0 $0x6, s1;
	s6 =	simm.s32 @p0 $0x0;
	s3 =	sadd.s32 @p0 s9, s3  }
0x77: {  	[hbm4b:s3+s6] =	stream.linear.scatter @p0 [tilespmem:s2], [sflag:s1], $0x4000, $0x200038;
	[tilespmem:$0x18380] =	vst v63  }
0x78: {  	p1 =	seq.s32 s29, $0x0;
	s2 =	simm.s32 $0x1;
	_ =	strace @p0 $0x9000004E  }
0x79: {  	s2 =	simm.s32 @!p0 $0x0;
	p0 =	sne.s32 s29, $0x0;
	s29 =	sadd.s32 $0x1, s29  }
0x7a: {  	s1 =	sand.u32 @!p1 $0x1, s22;
	s0 =	simm.s32 @!p0 $0x0;
	p0 =	sne.s32 s29, $0x6  }
.Ltmp2:
0x7b: {  	s1 =	sor.u32 @!p1 $0x6, s1;
	_ =	strace @!p1 $0x8000004F;
	(pc) =	sbr.rel @p0 .LBB2_2-.Ltmp2, $4  }
0x7c: {  	_ =	swait.ge @!p1 [sflag:s1], $0x4000  }
0x7d: {  	s31 =	smov.u32 s30;
	[sflag:s1] =	ssyncset.done @!p1 $0x0  }
0x7e: {  	s23 =	sadd.s32 s2, s23;
	s26 =	sadd.s32 s2, s26;
	[sflag:s1] =	ssyncadd.s32 @!p1 $0xFFFFC000  }
0x7f: {  	s24 =	sadd.s32 s2, s24;
	s22 =	sadd.s32 s0, s22;
	_ =	strace @!p1 $0x9000004F  }
0x80: {  	_ =	strace $0x80000050  }
0x81: {  	_ =	swait.ge [sflag:s20], $0x4000  }
0x82: {  	s21 =	sadd.s32 $0x1, s21;
	s0 =	rddreg [dreg:$0xa]  }
0x83: {  	p0 =	sne.s32 s21, s0  }
.Ltmp3:
0x84: {  	_ = 	snop;
	(pc) =	sbr.rel @p0 .LBB2_1-.Ltmp3, $4  }
0x85: {  	_ = 	snop  }
0x86: {  	[sflag:s20] =	ssyncset.done $0x0  }
0x87: {  	[sflag:s20] =	ssyncadd.s32 $0xFFFFC000  }
0x88: {  	_ =	strace $0x90000050  }
0x89: {  	_ =	sfence.sel $0x180000  }
0x8a: {  	[bflag:$0x0] =	sbarrier.arrive $0xFFFF  }
0x8b: {  	_ =	strace $0x90000047  }
0x8c: {  	s0 =	stileid.u32;
	[bflag:$0x2] =	sbarrier.arrive $0xFFFF  }
0x8d: {  	p0 =	sne.s32 s0, $0x0;
	s0 =	rddreg [dreg:$0x6]  }
0x8e: {  	s0 =	sadd.s32 @!p0 $0x100000, s0  }
0x8f: {  	[sflag:s0] =	ssyncadd.tile.s32 @!p0 $0x1;
	_ =	shalt  }
.Lfunc_end2:
_tile_overlayer_lowered:
.L_overlay_start_2:
0x90: {  	(tag) =	ssettag $0x2  }
0x91: {  	s0 =	rddreg [dreg:$0x0];
	s2 =	stileid.u32  }
0x92: {  	s1 =	rddreg [dreg:$0x1];
	p0 =	sne.s32 s2, $0x0  }
0x93: {  	s3 =	rddreg [dreg:$0x2];
	[bflag:$0x3] =	sbarrier.arrive $0xFFFF;
	s2 =	simm.s32 @!p0 $0x1C02  }
0x94: {  	[timem:s3], [sflag:s2] =	dma.local @!p0 [hbm:s0], s1  }
0x95: {  	s0 =	simm.s32 @!p0 $0x2  }
0x96: {  	_ =	swait.ge @!p0 [sflag:s0], s1  }
0x97: {  	s1 =	ssub.s32 @!p0 $0x0, s1;
	[sflag:s0] =	ssyncset.done @!p0 $0x0  }
0x98: {  	[sflag:s0] =	ssyncadd.s32 @!p0 s1  }
0x99: {  	[bflag:$0x3] =	sbarrier.arrive $0xFFFF  }
0x9a: {  	_ =	shalt  }

</sc_bundles>
